<compile_context>
chip_gen: v7x
topology: tpu7x:2x2x1
jax: 0.10.2.dev20260603
libtpu: 0.0.44.dev20260713+nightly
codegen_flags: <defaults>
</compile_context>

<pallas_src>
import functools

import jax
import jax.numpy as jnp
from jax import lax
from jax.experimental import pallas as pl
from jax.experimental.pallas import tpu as pltpu
from jax.experimental.pallas import tpu_sc as plsc

N = 10000
E = 320000
D_IN = 128
D_H = 64
D_OUT = 32

NC = 2
NS = 16
NW = NC * NS

C = 125
CH = 80
ROWS = E // C
ACC_N = 10112
RPT = ACC_N // NS
DEG_W = 16

_SC_PARAMS = dict(
    mesh=plsc.VectorSubcoreMesh(core_axis_name="c", subcore_axis_name="s"),
    compiler_params=pltpu.CompilerParams(use_tc_tiling_on_sc=False),
)



def _make_deg_kernel():

    @functools.partial(
        pl.kernel,
        out_type=jax.ShapeDtypeStruct((ACC_N, 128), jnp.float32),
        scratch_types=[
            pltpu.VMEM((CH, C), jnp.int32),
            pltpu.VMEM((C, DEG_W), jnp.float32),
            pltpu.VMEM_SHARED((ACC_N, DEG_W), jnp.float32),
            pltpu.SemaphoreType.DMA,
            pltpu.SemaphoreType.DMA,
        ],
        **_SC_PARAMS,
    )
    def deg_kernel(edge3d, ones_hbm, zeros_hbm, out_hbm, dst_v, ones_v, acc_sh,
                   s0, s1):
        cid = lax.axis_index("c")
        sid = lax.axis_index("s")
        wid = cid * NS + sid
        pltpu.sync_copy(edge3d.at[1, pl.ds(wid * CH, CH)], dst_v)
        pltpu.sync_copy(ones_hbm, ones_v)
        pltpu.sync_copy(zeros_hbm.at[pl.ds(sid * RPT, RPT)],
                        acc_sh.at[pl.ds(sid * RPT, RPT)])
        plsc.subcore_barrier()

        def s_start(j, sem):
            pltpu.async_copy(ones_v, acc_sh.at[dst_v.at[j]], sem, add=True)

        def s_wait(j, sem):
            pltpu.make_async_copy(ones_v, acc_sh.at[dst_v.at[j]], sem).wait()

        s_start(0, s0)
        s_start(1, s1)

        def body(i, carry):
            j0 = 2 * i
            s_wait(j0, s0)
            s_start(j0 + 2, s0)
            s_wait(j0 + 1, s1)
            s_start(j0 + 3, s1)
            return carry

        lax.fori_loop(0, CH // 2 - 1, body, 0)
        s_wait(CH - 2, s0)
        s_wait(CH - 1, s1)
        plsc.subcore_barrier()
        pltpu.sync_copy(acc_sh.at[pl.ds(sid * RPT, RPT)],
                        out_hbm.at[pl.ds(sid * RPT, RPT),
                                   pl.ds(cid * DEG_W, DEG_W)])

    return deg_kernel


def _make_seg_kernel(D, DEPTH):

    @functools.partial(
        pl.kernel,
        out_type=jax.ShapeDtypeStruct((ACC_N, 128), jnp.float32),
        scratch_types=[
            pltpu.VMEM((CH, C), jnp.int32),
            pltpu.VMEM((CH, C), jnp.int32),
        ] + [pltpu.VMEM((C, D), jnp.float32) for _ in range(DEPTH)] + [
            pltpu.VMEM_SHARED((ACC_N, D), jnp.float32),
            pltpu.VMEM_SHARED((ACC_N, D), jnp.float32),
        ] + [pltpu.SemaphoreType.DMA for _ in range(2 * DEPTH)],
        **_SC_PARAMS,
    )
    def seg_kernel(y_hbm, edge3d, zeros_hbm, out_hbm, src_v, dst_v, *rest):
        bufs = rest[:DEPTH]
        acc_sh, tab_sh = rest[DEPTH], rest[DEPTH + 1]
        gsems = rest[DEPTH + 2:2 * DEPTH + 2]
        ssems = rest[2 * DEPTH + 2:]
        cid = lax.axis_index("c")
        sid = lax.axis_index("s")
        wid = cid * NS + sid
        pltpu.sync_copy(edge3d.at[0, pl.ds(wid * CH, CH)], src_v)
        pltpu.sync_copy(edge3d.at[1, pl.ds(wid * CH, CH)], dst_v)
        pltpu.sync_copy(zeros_hbm.at[pl.ds(sid * RPT, RPT)],
                        acc_sh.at[pl.ds(sid * RPT, RPT)])
        pltpu.sync_copy(y_hbm.at[pl.ds(sid * RPT, RPT), pl.ds(0, D)],
                        tab_sh.at[pl.ds(sid * RPT, RPT)])
        plsc.subcore_barrier()

        def g_start(j, buf, sem):
            pltpu.async_copy(tab_sh.at[src_v.at[j]], buf, sem)

        def g_wait(j, buf, sem):
            pltpu.make_async_copy(tab_sh.at[src_v.at[j]], buf, sem).wait()

        def s_start(j, buf, sem):
            pltpu.async_copy(buf, acc_sh.at[dst_v.at[j]], sem, add=True)

        def s_wait(j, buf, sem):
            pltpu.make_async_copy(buf, acc_sh.at[dst_v.at[j]], sem).wait()

        for k in range(DEPTH):
            g_start(k, bufs[k], gsems[k])

        def body(i, carry):
            j0 = DEPTH * i
            for k in range(DEPTH):
                g_wait(j0 + k, bufs[k], gsems[k])
                s_start(j0 + k, bufs[k], ssems[k])
            for k in range(DEPTH):
                s_wait(j0 + k, bufs[k], ssems[k])
                g_start(j0 + DEPTH + k, bufs[k], gsems[k])
            return carry

        lax.fori_loop(0, CH // DEPTH - 1, body, 0)
        j0 = CH - DEPTH
        for k in range(DEPTH):
            g_wait(j0 + k, bufs[k], gsems[k])
            s_start(j0 + k, bufs[k], ssems[k])
        for k in range(DEPTH):
            s_wait(j0 + k, bufs[k], ssems[k])
        plsc.subcore_barrier()
        pltpu.sync_copy(acc_sh.at[pl.ds(sid * RPT, RPT)],
                        out_hbm.at[pl.ds(sid * RPT, RPT), pl.ds(cid * D, D)])

    return seg_kernel


_deg_kernel = _make_deg_kernel()
_seg_kernel_h = _make_seg_kernel(D_H, 2)
_seg_kernel_o = _make_seg_kernel(D_OUT, 2)



BN = 1000
G = N // BN


def _mm_body(x_ref, w_ref, o_ref):
    o_ref[...] = jnp.dot(x_ref[...], w_ref[...],
                         preferred_element_type=jnp.float32)


def _scale_body(xw_ref, degc_ref, y_ref, dis_ref):
    d = degc_ref[...]
    deg = d[:, 0:1] + d[:, DEG_W:DEG_W + 1] + 1.0
    dis = lax.rsqrt(deg)
    dis_ref[...] = dis
    y_ref[...] = jnp.concatenate(
        [dis * xw_ref[...], jnp.zeros((BN, 128 - D_H), jnp.float32)], axis=1)


def _tc_b_body(a_ref, xw_ref, dis_ref, w_ref, b_ref, y2_ref):
    dis = dis_ref[...]
    ac = a_ref[...]
    a = ac[:, 0:D_H] + ac[:, D_H:2 * D_H]
    h = dis * (a + dis * xw_ref[...]) + b_ref[...]
    h = jnp.maximum(h, 0.0)
    y2 = dis * jnp.dot(h, w_ref[...], preferred_element_type=jnp.float32)
    y2_ref[...] = jnp.concatenate(
        [y2, jnp.zeros((BN, 128 - D_OUT), jnp.float32)], axis=1)


def _tc_c_body(a_ref, y2_ref, dis_ref, b_ref, out_ref):
    ac = a_ref[...]
    a = ac[:, 0:D_OUT] + ac[:, D_OUT:2 * D_OUT]
    out_ref[...] = dis_ref[...] * (a + y2_ref[:, 0:D_OUT]) + b_ref[...]


def _row_spec(d):
    return pl.BlockSpec((BN, d), lambda i: (i, 0))


def _full_spec(shape):
    return pl.BlockSpec(shape, lambda i: (0,) * len(shape))


def _tc_mm(x, W1):
    return pl.pallas_call(
        _mm_body,
        grid=(G,),
        in_specs=[_row_spec(D_IN), _full_spec((D_IN, D_H))],
        out_specs=_row_spec(D_H),
        out_shape=jax.ShapeDtypeStruct((N, D_H), jnp.float32),
    )(x, W1)


def _tc_scale(xw, degc):
    return pl.pallas_call(
        _scale_body,
        grid=(G,),
        in_specs=[_row_spec(D_H), _row_spec(128)],
        out_specs=[_row_spec(128), _row_spec(1)],
        out_shape=[jax.ShapeDtypeStruct((ACC_N, 128), jnp.float32),
                   jax.ShapeDtypeStruct((N, 1), jnp.float32)],
    )(xw, degc)


def _tc_b(acc1, xw, dis, W2, b1):
    return pl.pallas_call(
        _tc_b_body,
        grid=(G,),
        in_specs=[_row_spec(128), _row_spec(D_H), _row_spec(1),
                  _full_spec((D_H, D_OUT)), _full_spec((1, D_H))],
        out_specs=_row_spec(128),
        out_shape=jax.ShapeDtypeStruct((ACC_N, 128), jnp.float32),
    )(acc1, xw, dis, W2, b1)


def _tc_c(acc2, y2, dis, b2):
    return pl.pallas_call(
        _tc_c_body,
        grid=(G,),
        in_specs=[_row_spec(128), _row_spec(128), _row_spec(1),
                  _full_spec((1, D_OUT))],
        out_specs=_row_spec(D_OUT),
        out_shape=jax.ShapeDtypeStruct((N, D_OUT), jnp.float32),
    )(acc2, y2, dis, b2)



def kernel(x, edge_index, W1, b1, W2, b2):
    edge3d = edge_index.reshape(2, ROWS, C)

    ones_rows = jnp.ones((C, DEG_W), jnp.float32)
    zeros16 = jnp.zeros((ACC_N, DEG_W), jnp.float32)
    zeros64 = jnp.zeros((ACC_N, D_H), jnp.float32)
    zeros32 = jnp.zeros((ACC_N, D_OUT), jnp.float32)

    degc = _deg_kernel(edge3d, ones_rows, zeros16)
    xw = _tc_mm(x, W1)
    y1, dis = _tc_scale(xw, degc)

    acc1 = _seg_kernel_h(y1, edge3d, zeros64)
    y2 = _tc_b(acc1, xw, dis, W2, b1.reshape(1, D_H))

    acc2 = _seg_kernel_o(y2, edge3d, zeros32)
    return _tc_c(acc2, y2, dis, b2.reshape(1, D_OUT))

# --- scband reference (transcript-rebuilt; emitter-appended) ---
"""Pipeline reference for scband-gnnmodel-49589692399895 (READ-ONLY COPY).

The authoritative reference and input builder live on the scoring server;
editing this copy changes nothing except your own understanding.
"""

import jax, jax.numpy as jnp
import numpy as np

N = 10000
E = 320000
D_IN = 128
D_H = 64
D_OUT = 32


def setup_inputs(seed: int = 0) -> dict:
    key = jax.random.key(seed)
    k1, k2, k3, k4, k5, k6 = jax.random.split(key, 6)
    x = jax.random.normal(k1, (N, D_IN), dtype=jnp.float32)
    edge_index = jax.random.randint(k2, (2, E), 0, N, dtype=jnp.int32)
    # GCNConv parameters (glorot-style init for weights, zeros for bias)
    W1 = jax.random.normal(k3, (D_IN, D_H), dtype=jnp.float32) * (1.0 / np.sqrt(D_IN))
    b1 = jnp.zeros((D_H,), dtype=jnp.float32)
    W2 = jax.random.normal(k4, (D_H, D_OUT), dtype=jnp.float32) * (1.0 / np.sqrt(D_H))
    b2 = jnp.zeros((D_OUT,), dtype=jnp.float32)
    return {"x": x, "edge_index": edge_index, "W1": W1, "b1": b1, "W2": W2, "b2": b2}


def _gcn_conv(x, edge_index, W, b):
    # Faithful GCNConv: add self-loops, symmetric normalization D^-1/2 (A+I) D^-1/2, then X W + b
    n = x.shape[0]
    src = edge_index[0]
    dst = edge_index[1]
    loop = jnp.arange(n, dtype=src.dtype)
    src = jnp.concatenate([src, loop])
    dst = jnp.concatenate([dst, loop])
    deg = jax.ops.segment_sum(jnp.ones_like(src, dtype=x.dtype), dst, num_segments=n)
    deg_inv_sqrt = jnp.where(deg > 0, jax.lax.rsqrt(jnp.maximum(deg, 1e-12)), 0.0)
    norm = deg_inv_sqrt[src] * deg_inv_sqrt[dst]
    xw = x @ W
    msg = xw[src] * norm[:, None]
    out = jax.ops.segment_sum(msg, dst, num_segments=n)
    return out + b


def reference(x, edge_index, W1, b1, W2, b2):
    h = _gcn_conv(x, edge_index, W1, b1)
    h = jax.nn.relu(h)
    out = _gcn_conv(h, edge_index, W2, b2)
    return out

if __name__ == "__main__":
    import jax
    _d = setup_inputs()
    print(jax.jit(kernel)(*tuple(_d.values())))

</pallas_src>

<mosaic_0001>
#map = affine_map<(d0, d1) -> (0, 0)>
#map1 = affine_map<(d0, d1) -> (0, 0, 0)>
module attributes {stable_mosaic.version = 14 : i64} {
  func.func @seg_kernel(%arg0: i32, %arg1: i32, %arg2: memref<10112x128xf32, #tpu.memory_space<hbm>>, %arg3: memref<2x2560x125xi32, #tpu.memory_space<hbm>>, %arg4: memref<10112x32xf32, #tpu.memory_space<hbm>>, %arg5: memref<10112x128xf32, #tpu.memory_space<hbm>>, %arg6: memref<80x125xi32, #tpu.memory_space<vmem>>, %arg7: memref<80x125xi32, #tpu.memory_space<vmem>>, %arg8: memref<125x32xf32, #tpu.memory_space<vmem>>, %arg9: memref<125x32xf32, #tpu.memory_space<vmem>>, %arg10: memref<10112x32xf32, #tpu.memory_space<vmem_shared>>, %arg11: memref<10112x32xf32, #tpu.memory_space<vmem_shared>>, %arg12: memref<!tpu.dma_semaphore, #tpu.memory_space<semaphore_mem>>, %arg13: memref<!tpu.dma_semaphore, #tpu.memory_space<semaphore_mem>>, %arg14: memref<!tpu.dma_semaphore, #tpu.memory_space<semaphore_mem>>, %arg15: memref<!tpu.dma_semaphore, #tpu.memory_space<semaphore_mem>>) attributes {dimension_semantics = [#tpu.dimension_semantics<core_parallel>, #tpu.dimension_semantics<subcore_parallel>], iteration_bounds = array<i64: 2, 16>, scalar_prefetch = 0 : i64, scratch_operands = 10 : i64, tpu.core_type = #tpu.core_type<sc_vector_subcore>, window_params = [{transform_indices = #map}, {transform_indices = #map1}, {transform_indices = #map}, {transform_indices = #map}]} {
    %mul3A = arith.constant 16 : i32
    %mul3A_0 = arith.muli %arg0, %mul3A : i32
    %add3A = arith.addi %mul3A_0, %arg1 : i32
    %mul3A_1 = arith.constant 80 : i32
    %mul3A_2 = arith.muli %add3A, %mul3A_1 : i32
    %run_scoped3A = arith.constant 0 : i32
    "tpu.region"() ({
      %run_scoped3A_80 = tpu.sem_alloc : memref<!tpu.dma_semaphore, #tpu.memory_space<semaphore_mem>>
      %dma_start3A_81 = arith.constant 0 : i32
      %dma_start3A_82 = tpu.memref_slice %arg3[%run_scoped3A, %mul3A_2, %dma_start3A_81] : memref<2x2560x125xi32, #tpu.memory_space<hbm>> -> memref<1x80x125xi32, #tpu.memory_space<hbm>>
      %dma_start3A_83 = tpu.memref_squeeze %dma_start3A_82 : memref<1x80x125xi32, #tpu.memory_space<hbm>> -> memref<80x125xi32, #tpu.memory_space<hbm>>
      %dma_start3A_84 = arith.constant 0 : i32
      %dma_start3A_85 = tpu.memref_slice %arg3[%run_scoped3A, %mul3A_2, %dma_start3A_84] : memref<2x2560x125xi32, #tpu.memory_space<hbm>> -> memref<1x80x125xi32, #tpu.memory_space<hbm>>
      %dma_start3A_86 = tpu.memref_squeeze %dma_start3A_85 : memref<1x80x125xi32, #tpu.memory_space<hbm>> -> memref<80x125xi32, #tpu.memory_space<hbm>>
      tpu.enqueue_dma source(%dma_start3A_86 : memref<80x125xi32, #tpu.memory_space<hbm>>) target(%arg6 : memref<80x125xi32, #tpu.memory_space<vmem>>) target_semaphore(%run_scoped3A_80 : memref<!tpu.dma_semaphore, #tpu.memory_space<semaphore_mem>>)
      %dma_wait3A_87 = arith.constant 0 : i32
      %dma_wait3A_88 = tpu.memref_slice %arg3[%run_scoped3A, %mul3A_2, %dma_wait3A_87] : memref<2x2560x125xi32, #tpu.memory_space<hbm>> -> memref<1x80x125xi32, #tpu.memory_space<hbm>>
      %dma_wait3A_89 = tpu.memref_squeeze %dma_wait3A_88 : memref<1x80x125xi32, #tpu.memory_space<hbm>> -> memref<80x125xi32, #tpu.memory_space<hbm>>
      %dma_wait3A_90 = arith.constant 0 : i32
      %dma_wait3A_91 = tpu.memref_slice %arg3[%run_scoped3A, %mul3A_2, %dma_wait3A_90] : memref<2x2560x125xi32, #tpu.memory_space<hbm>> -> memref<1x80x125xi32, #tpu.memory_space<hbm>>
      %dma_wait3A_92 = tpu.memref_squeeze %dma_wait3A_91 : memref<1x80x125xi32, #tpu.memory_space<hbm>> -> memref<80x125xi32, #tpu.memory_space<hbm>>
      tpu.wait_dma2 semaphore(%run_scoped3A_80 : memref<!tpu.dma_semaphore, #tpu.memory_space<semaphore_mem>>) src(%dma_wait3A_92 : memref<80x125xi32, #tpu.memory_space<hbm>>) dst(%arg6 : memref<80x125xi32, #tpu.memory_space<vmem>>)
      tpu.yield
    }) : () -> ()
    %mul3A_3 = arith.constant 80 : i32
    %mul3A_4 = arith.muli %add3A, %mul3A_3 : i32
    %run_scoped3A_5 = arith.constant 1 : i32
    "tpu.region"() ({
      %run_scoped3A_80 = tpu.sem_alloc : memref<!tpu.dma_semaphore, #tpu.memory_space<semaphore_mem>>
      %dma_start3A_81 = arith.constant 0 : i32
      %dma_start3A_82 = tpu.memref_slice %arg3[%run_scoped3A_5, %mul3A_4, %dma_start3A_81] : memref<2x2560x125xi32, #tpu.memory_space<hbm>> -> memref<1x80x125xi32, #tpu.memory_space<hbm>>
      %dma_start3A_83 = tpu.memref_squeeze %dma_start3A_82 : memref<1x80x125xi32, #tpu.memory_space<hbm>> -> memref<80x125xi32, #tpu.memory_space<hbm>>
      %dma_start3A_84 = arith.constant 0 : i32
      %dma_start3A_85 = tpu.memref_slice %arg3[%run_scoped3A_5, %mul3A_4, %dma_start3A_84] : memref<2x2560x125xi32, #tpu.memory_space<hbm>> -> memref<1x80x125xi32, #tpu.memory_space<hbm>>
      %dma_start3A_86 = tpu.memref_squeeze %dma_start3A_85 : memref<1x80x125xi32, #tpu.memory_space<hbm>> -> memref<80x125xi32, #tpu.memory_space<hbm>>
      tpu.enqueue_dma source(%dma_start3A_86 : memref<80x125xi32, #tpu.memory_space<hbm>>) target(%arg7 : memref<80x125xi32, #tpu.memory_space<vmem>>) target_semaphore(%run_scoped3A_80 : memref<!tpu.dma_semaphore, #tpu.memory_space<semaphore_mem>>)
      %dma_wait3A_87 = arith.constant 0 : i32
      %dma_wait3A_88 = tpu.memref_slice %arg3[%run_scoped3A_5, %mul3A_4, %dma_wait3A_87] : memref<2x2560x125xi32, #tpu.memory_space<hbm>> -> memref<1x80x125xi32, #tpu.memory_space<hbm>>
      %dma_wait3A_89 = tpu.memref_squeeze %dma_wait3A_88 : memref<1x80x125xi32, #tpu.memory_space<hbm>> -> memref<80x125xi32, #tpu.memory_space<hbm>>
      %dma_wait3A_90 = arith.constant 0 : i32
      %dma_wait3A_91 = tpu.memref_slice %arg3[%run_scoped3A_5, %mul3A_4, %dma_wait3A_90] : memref<2x2560x125xi32, #tpu.memory_space<hbm>> -> memref<1x80x125xi32, #tpu.memory_space<hbm>>
      %dma_wait3A_92 = tpu.memref_squeeze %dma_wait3A_91 : memref<1x80x125xi32, #tpu.memory_space<hbm>> -> memref<80x125xi32, #tpu.memory_space<hbm>>
      tpu.wait_dma2 semaphore(%run_scoped3A_80 : memref<!tpu.dma_semaphore, #tpu.memory_space<semaphore_mem>>) src(%dma_wait3A_92 : memref<80x125xi32, #tpu.memory_space<hbm>>) dst(%arg7 : memref<80x125xi32, #tpu.memory_space<vmem>>)
      tpu.yield
    }) : () -> ()
    %mul3A_6 = arith.constant 632 : i32
    %mul3A_7 = arith.muli %arg1, %mul3A_6 : i32
    %mul3A_8 = arith.constant 632 : i32
    %mul3A_9 = arith.muli %arg1, %mul3A_8 : i32
    "tpu.region"() ({
      %run_scoped3A_80 = tpu.sem_alloc : memref<!tpu.dma_semaphore, #tpu.memory_space<semaphore_mem>>
      %dma_start3A_81 = arith.constant 0 : i32
      %dma_start3A_82 = tpu.memref_slice %arg10[%mul3A_9, %dma_start3A_81] : memref<10112x32xf32, #tpu.memory_space<vmem_shared>> -> memref<632x32xf32, #tpu.memory_space<vmem_shared>>
      %dma_start3A_83 = arith.constant 0 : i32
      %dma_start3A_84 = tpu.memref_slice %arg4[%mul3A_7, %dma_start3A_83] : memref<10112x32xf32, #tpu.memory_space<hbm>> -> memref<632x32xf32, #tpu.memory_space<hbm>>
      tpu.enqueue_dma source(%dma_start3A_84 : memref<632x32xf32, #tpu.memory_space<hbm>>) target(%dma_start3A_82 : memref<632x32xf32, #tpu.memory_space<vmem_shared>>) target_semaphore(%run_scoped3A_80 : memref<!tpu.dma_semaphore, #tpu.memory_space<semaphore_mem>>)
      %dma_wait3A_85 = arith.constant 0 : i32
      %dma_wait3A_86 = tpu.memref_slice %arg10[%mul3A_9, %dma_wait3A_85] : memref<10112x32xf32, #tpu.memory_space<vmem_shared>> -> memref<632x32xf32, #tpu.memory_space<vmem_shared>>
      %dma_wait3A_87 = arith.constant 0 : i32
      %dma_wait3A_88 = tpu.memref_slice %arg4[%mul3A_7, %dma_wait3A_87] : memref<10112x32xf32, #tpu.memory_space<hbm>> -> memref<632x32xf32, #tpu.memory_space<hbm>>
      tpu.wait_dma2 semaphore(%run_scoped3A_80 : memref<!tpu.dma_semaphore, #tpu.memory_space<semaphore_mem>>) src(%dma_wait3A_88 : memref<632x32xf32, #tpu.memory_space<hbm>>) dst(%dma_wait3A_86 : memref<632x32xf32, #tpu.memory_space<vmem_shared>>)
      tpu.yield
    }) : () -> ()
    %mul3A_10 = arith.constant 632 : i32
    %mul3A_11 = arith.muli %arg1, %mul3A_10 : i32
    %mul3A_12 = arith.constant 632 : i32
    %mul3A_13 = arith.muli %arg1, %mul3A_12 : i32
    "tpu.region"() ({
      %run_scoped3A_80 = tpu.sem_alloc : memref<!tpu.dma_semaphore, #tpu.memory_space<semaphore_mem>>
      %dma_start3A_81 = arith.constant 0 : i32
      %dma_start3A_82 = tpu.memref_slice %arg11[%mul3A_13, %dma_start3A_81] : memref<10112x32xf32, #tpu.memory_space<vmem_shared>> -> memref<632x32xf32, #tpu.memory_space<vmem_shared>>
      %dma_start3A_83 = arith.constant 0 : i32
      %dma_start3A_84 = tpu.memref_slice %arg2[%mul3A_11, %dma_start3A_83] : memref<10112x128xf32, #tpu.memory_space<hbm>> -> memref<632x32xf32, #tpu.memory_space<hbm>>
      tpu.enqueue_dma source(%dma_start3A_84 : memref<632x32xf32, #tpu.memory_space<hbm>>) target(%dma_start3A_82 : memref<632x32xf32, #tpu.memory_space<vmem_shared>>) target_semaphore(%run_scoped3A_80 : memref<!tpu.dma_semaphore, #tpu.memory_space<semaphore_mem>>)
      %dma_wait3A_85 = arith.constant 0 : i32
      %dma_wait3A_86 = tpu.memref_slice %arg11[%mul3A_13, %dma_wait3A_85] : memref<10112x32xf32, #tpu.memory_space<vmem_shared>> -> memref<632x32xf32, #tpu.memory_space<vmem_shared>>
      %dma_wait3A_87 = arith.constant 0 : i32
      %dma_wait3A_88 = tpu.memref_slice %arg2[%mul3A_11, %dma_wait3A_87] : memref<10112x128xf32, #tpu.memory_space<hbm>> -> memref<632x32xf32, #tpu.memory_space<hbm>>
      tpu.wait_dma2 semaphore(%run_scoped3A_80 : memref<!tpu.dma_semaphore, #tpu.memory_space<semaphore_mem>>) src(%dma_wait3A_88 : memref<632x32xf32, #tpu.memory_space<hbm>>) dst(%dma_wait3A_86 : memref<632x32xf32, #tpu.memory_space<vmem_shared>>)
      tpu.yield
    }) : () -> ()
    %barrier3A = arith.constant 0 : index
    tpu.barrier barrier_id(%barrier3A)
    %dma_start3A = arith.constant 0 : i32
    %dma_start3A_14 = arith.constant 0 : i32
    %dma_start3A_15 = tpu.memref_slice %arg6[%dma_start3A, %dma_start3A_14] : memref<80x125xi32, #tpu.memory_space<vmem>> -> memref<1x125xi32, #tpu.memory_space<vmem>>
    %dma_start3A_16 = tpu.memref_squeeze %dma_start3A_15 : memref<1x125xi32, #tpu.memory_space<vmem>> -> memref<125xi32, #tpu.memory_space<vmem>>
    %dma_start3A_17 = arith.constant 0 : i32
    %dma_start3A_18 = arith.constant 0 : i32
    %dma_start3A_19 = tpu.memref_slice %arg11[%dma_start3A_17, %dma_start3A_18] : memref<10112x32xf32, #tpu.memory_space<vmem_shared>> -> memref<10112x32xf32, #tpu.memory_space<vmem_shared>>
    tpu.enqueue_indirect_dma source(%dma_start3A_19 : memref<10112x32xf32, #tpu.memory_space<vmem_shared>>) target(%arg8 : memref<125x32xf32, #tpu.memory_space<vmem>>) offsets(%dma_start3A_16 : memref<125xi32, #tpu.memory_space<vmem>>) semaphore(%arg12 : memref<!tpu.dma_semaphore, #tpu.memory_space<semaphore_mem>>)
    %dma_start3A_20 = arith.constant 1 : i32
    %dma_start3A_21 = arith.constant 0 : i32
    %dma_start3A_22 = tpu.memref_slice %arg6[%dma_start3A_20, %dma_start3A_21] : memref<80x125xi32, #tpu.memory_space<vmem>> -> memref<1x125xi32, #tpu.memory_space<vmem>>
    %dma_start3A_23 = tpu.memref_squeeze %dma_start3A_22 : memref<1x125xi32, #tpu.memory_space<vmem>> -> memref<125xi32, #tpu.memory_space<vmem>>
    %dma_start3A_24 = arith.constant 0 : i32
    %dma_start3A_25 = arith.constant 0 : i32
    %dma_start3A_26 = tpu.memref_slice %arg11[%dma_start3A_24, %dma_start3A_25] : memref<10112x32xf32, #tpu.memory_space<vmem_shared>> -> memref<10112x32xf32, #tpu.memory_space<vmem_shared>>
    tpu.enqueue_indirect_dma source(%dma_start3A_26 : memref<10112x32xf32, #tpu.memory_space<vmem_shared>>) target(%arg9 : memref<125x32xf32, #tpu.memory_space<vmem>>) offsets(%dma_start3A_23 : memref<125xi32, #tpu.memory_space<vmem>>) semaphore(%arg13 : memref<!tpu.dma_semaphore, #tpu.memory_space<semaphore_mem>>)
    %scan3A = arith.constant 0 : i32
    %scan3A_27 = arith.constant 0 : i32
    %scan3A_28 = arith.constant 39 : i32
    %scan3A_29 = arith.addi %scan3A_27, %scan3A_28 : i32
    %scan3A_30 = arith.constant 1 : i32
    scf.for %scan3A_80 = %scan3A_27 to %scan3A_29 step %scan3A_30  : i32 {
      %mul3A_81 = arith.constant 2 : i32
      %mul3A_82 = arith.muli %mul3A_81, %scan3A_80 : i32
      %add3A_83 = arith.constant 0 : i32
      %add3A_84 = arith.addi %mul3A_82, %add3A_83 : i32
      %dma_wait3A_85 = arith.constant 0 : i32
      %dma_wait3A_86 = tpu.memref_slice %arg6[%add3A_84, %dma_wait3A_85] : memref<80x125xi32, #tpu.memory_space<vmem>> -> memref<1x125xi32, #tpu.memory_space<vmem>>
      %dma_wait3A_87 = tpu.memref_squeeze %dma_wait3A_86 : memref<1x125xi32, #tpu.memory_space<vmem>> -> memref<125xi32, #tpu.memory_space<vmem>>
      %dma_wait3A_88 = arith.constant 0 : i32
      %dma_wait3A_89 = arith.constant 0 : i32
      %dma_wait3A_90 = tpu.memref_slice %arg11[%dma_wait3A_88, %dma_wait3A_89] : memref<10112x32xf32, #tpu.memory_space<vmem_shared>> -> memref<10112x32xf32, #tpu.memory_space<vmem_shared>>
      tpu.wait_indirect_dma semaphore(%arg12 : memref<!tpu.dma_semaphore, #tpu.memory_space<semaphore_mem>>) src(%dma_wait3A_90 : memref<10112x32xf32, #tpu.memory_space<vmem_shared>>) dst(%arg8 : memref<125x32xf32, #tpu.memory_space<vmem>>)
      %add3A_91 = arith.constant 0 : i32
      %add3A_92 = arith.addi %mul3A_82, %add3A_91 : i32
      %dma_start3A_93 = arith.constant 0 : i32
      %dma_start3A_94 = tpu.memref_slice %arg7[%add3A_92, %dma_start3A_93] : memref<80x125xi32, #tpu.memory_space<vmem>> -> memref<1x125xi32, #tpu.memory_space<vmem>>
      %dma_start3A_95 = tpu.memref_squeeze %dma_start3A_94 : memref<1x125xi32, #tpu.memory_space<vmem>> -> memref<125xi32, #tpu.memory_space<vmem>>
      %dma_start3A_96 = arith.constant 0 : i32
      %dma_start3A_97 = arith.constant 0 : i32
      %dma_start3A_98 = tpu.memref_slice %arg10[%dma_start3A_96, %dma_start3A_97] : memref<10112x32xf32, #tpu.memory_space<vmem_shared>> -> memref<10112x32xf32, #tpu.memory_space<vmem_shared>>
      tpu.enqueue_indirect_dma source(%arg8 : memref<125x32xf32, #tpu.memory_space<vmem>>) target(%dma_start3A_98 : memref<10112x32xf32, #tpu.memory_space<vmem_shared>>) offsets(%dma_start3A_95 : memref<125xi32, #tpu.memory_space<vmem>>) semaphore(%arg14 : memref<!tpu.dma_semaphore, #tpu.memory_space<semaphore_mem>>) {add = true}
      %add3A_99 = arith.constant 1 : i32
      %add3A_100 = arith.addi %mul3A_82, %add3A_99 : i32
      %dma_wait3A_101 = arith.constant 0 : i32
      %dma_wait3A_102 = tpu.memref_slice %arg6[%add3A_100, %dma_wait3A_101] : memref<80x125xi32, #tpu.memory_space<vmem>> -> memref<1x125xi32, #tpu.memory_space<vmem>>
      %dma_wait3A_103 = tpu.memref_squeeze %dma_wait3A_102 : memref<1x125xi32, #tpu.memory_space<vmem>> -> memref<125xi32, #tpu.memory_space<vmem>>
      %dma_wait3A_104 = arith.constant 0 : i32
      %dma_wait3A_105 = arith.constant 0 : i32
      %dma_wait3A_106 = tpu.memref_slice %arg11[%dma_wait3A_104, %dma_wait3A_105] : memref<10112x32xf32, #tpu.memory_space<vmem_shared>> -> memref<10112x32xf32, #tpu.memory_space<vmem_shared>>
      tpu.wait_indirect_dma semaphore(%arg13 : memref<!tpu.dma_semaphore, #tpu.memory_space<semaphore_mem>>) src(%dma_wait3A_106 : memref<10112x32xf32, #tpu.memory_space<vmem_shared>>) dst(%arg9 : memref<125x32xf32, #tpu.memory_space<vmem>>)
      %add3A_107 = arith.constant 1 : i32
      %add3A_108 = arith.addi %mul3A_82, %add3A_107 : i32
      %dma_start3A_109 = arith.constant 0 : i32
      %dma_start3A_110 = tpu.memref_slice %arg7[%add3A_108, %dma_start3A_109] : memref<80x125xi32, #tpu.memory_space<vmem>> -> memref<1x125xi32, #tpu.memory_space<vmem>>
      %dma_start3A_111 = tpu.memref_squeeze %dma_start3A_110 : memref<1x125xi32, #tpu.memory_space<vmem>> -> memref<125xi32, #tpu.memory_space<vmem>>
      %dma_start3A_112 = arith.constant 0 : i32
      %dma_start3A_113 = arith.constant 0 : i32
      %dma_start3A_114 = tpu.memref_slice %arg10[%dma_start3A_112, %dma_start3A_113] : memref<10112x32xf32, #tpu.memory_space<vmem_shared>> -> memref<10112x32xf32, #tpu.memory_space<vmem_shared>>
      tpu.enqueue_indirect_dma source(%arg9 : memref<125x32xf32, #tpu.memory_space<vmem>>) target(%dma_start3A_114 : memref<10112x32xf32, #tpu.memory_space<vmem_shared>>) offsets(%dma_start3A_111 : memref<125xi32, #tpu.memory_space<vmem>>) semaphore(%arg15 : memref<!tpu.dma_semaphore, #tpu.memory_space<semaphore_mem>>) {add = true}
      %add3A_115 = arith.constant 0 : i32
      %add3A_116 = arith.addi %mul3A_82, %add3A_115 : i32
      %dma_wait3A_117 = arith.constant 0 : i32
      %dma_wait3A_118 = tpu.memref_slice %arg7[%add3A_116, %dma_wait3A_117] : memref<80x125xi32, #tpu.memory_space<vmem>> -> memref<1x125xi32, #tpu.memory_space<vmem>>
      %dma_wait3A_119 = tpu.memref_squeeze %dma_wait3A_118 : memref<1x125xi32, #tpu.memory_space<vmem>> -> memref<125xi32, #tpu.memory_space<vmem>>
      %dma_wait3A_120 = arith.constant 0 : i32
      %dma_wait3A_121 = arith.constant 0 : i32
      %dma_wait3A_122 = tpu.memref_slice %arg10[%dma_wait3A_120, %dma_wait3A_121] : memref<10112x32xf32, #tpu.memory_space<vmem_shared>> -> memref<10112x32xf32, #tpu.memory_space<vmem_shared>>
      tpu.wait_indirect_dma semaphore(%arg14 : memref<!tpu.dma_semaphore, #tpu.memory_space<semaphore_mem>>) src(%arg8 : memref<125x32xf32, #tpu.memory_space<vmem>>) dst(%dma_wait3A_122 : memref<10112x32xf32, #tpu.memory_space<vmem_shared>>)
      %add3A_123 = arith.constant 2 : i32
      %add3A_124 = arith.addi %mul3A_82, %add3A_123 : i32
      %add3A_125 = arith.constant 0 : i32
      %add3A_126 = arith.addi %add3A_124, %add3A_125 : i32
      %dma_start3A_127 = arith.constant 0 : i32
      %dma_start3A_128 = tpu.memref_slice %arg6[%add3A_126, %dma_start3A_127] : memref<80x125xi32, #tpu.memory_space<vmem>> -> memref<1x125xi32, #tpu.memory_space<vmem>>
      %dma_start3A_129 = tpu.memref_squeeze %dma_start3A_128 : memref<1x125xi32, #tpu.memory_space<vmem>> -> memref<125xi32, #tpu.memory_space<vmem>>
      %dma_start3A_130 = arith.constant 0 : i32
      %dma_start3A_131 = arith.constant 0 : i32
      %dma_start3A_132 = tpu.memref_slice %arg11[%dma_start3A_130, %dma_start3A_131] : memref<10112x32xf32, #tpu.memory_space<vmem_shared>> -> memref<10112x32xf32, #tpu.memory_space<vmem_shared>>
      tpu.enqueue_indirect_dma source(%dma_start3A_132 : memref<10112x32xf32, #tpu.memory_space<vmem_shared>>) target(%arg8 : memref<125x32xf32, #tpu.memory_space<vmem>>) offsets(%dma_start3A_129 : memref<125xi32, #tpu.memory_space<vmem>>) semaphore(%arg12 : memref<!tpu.dma_semaphore, #tpu.memory_space<semaphore_mem>>)
      %add3A_133 = arith.constant 1 : i32
      %add3A_134 = arith.addi %mul3A_82, %add3A_133 : i32
      %dma_wait3A_135 = arith.constant 0 : i32
      %dma_wait3A_136 = tpu.memref_slice %arg7[%add3A_134, %dma_wait3A_135] : memref<80x125xi32, #tpu.memory_space<vmem>> -> memref<1x125xi32, #tpu.memory_space<vmem>>
      %dma_wait3A_137 = tpu.memref_squeeze %dma_wait3A_136 : memref<1x125xi32, #tpu.memory_space<vmem>> -> memref<125xi32, #tpu.memory_space<vmem>>
      %dma_wait3A_138 = arith.constant 0 : i32
      %dma_wait3A_139 = arith.constant 0 : i32
      %dma_wait3A_140 = tpu.memref_slice %arg10[%dma_wait3A_138, %dma_wait3A_139] : memref<10112x32xf32, #tpu.memory_space<vmem_shared>> -> memref<10112x32xf32, #tpu.memory_space<vmem_shared>>
      tpu.wait_indirect_dma semaphore(%arg15 : memref<!tpu.dma_semaphore, #tpu.memory_space<semaphore_mem>>) src(%arg9 : memref<125x32xf32, #tpu.memory_space<vmem>>) dst(%dma_wait3A_140 : memref<10112x32xf32, #tpu.memory_space<vmem_shared>>)
      %add3A_141 = arith.constant 2 : i32
      %add3A_142 = arith.addi %mul3A_82, %add3A_141 : i32
      %add3A_143 = arith.constant 1 : i32
      %add3A_144 = arith.addi %add3A_142, %add3A_143 : i32
      %dma_start3A_145 = arith.constant 0 : i32
      %dma_start3A_146 = tpu.memref_slice %arg6[%add3A_144, %dma_start3A_145] : memref<80x125xi32, #tpu.memory_space<vmem>> -> memref<1x125xi32, #tpu.memory_space<vmem>>
      %dma_start3A_147 = tpu.memref_squeeze %dma_start3A_146 : memref<1x125xi32, #tpu.memory_space<vmem>> -> memref<125xi32, #tpu.memory_space<vmem>>
      %dma_start3A_148 = arith.constant 0 : i32
      %dma_start3A_149 = arith.constant 0 : i32
      %dma_start3A_150 = tpu.memref_slice %arg11[%dma_start3A_148, %dma_start3A_149] : memref<10112x32xf32, #tpu.memory_space<vmem_shared>> -> memref<10112x32xf32, #tpu.memory_space<vmem_shared>>
      tpu.enqueue_indirect_dma source(%dma_start3A_150 : memref<10112x32xf32, #tpu.memory_space<vmem_shared>>) target(%arg9 : memref<125x32xf32, #tpu.memory_space<vmem>>) offsets(%dma_start3A_147 : memref<125xi32, #tpu.memory_space<vmem>>) semaphore(%arg13 : memref<!tpu.dma_semaphore, #tpu.memory_space<semaphore_mem>>)
    }
    %scan3A_31 = arith.constant 39 : i32
    %dma_wait3A = arith.constant 78 : i32
    %dma_wait3A_32 = arith.constant 0 : i32
    %dma_wait3A_33 = tpu.memref_slice %arg6[%dma_wait3A, %dma_wait3A_32] : memref<80x125xi32, #tpu.memory_space<vmem>> -> memref<1x125xi32, #tpu.memory_space<vmem>>
    %dma_wait3A_34 = tpu.memref_squeeze %dma_wait3A_33 : memref<1x125xi32, #tpu.memory_space<vmem>> -> memref<125xi32, #tpu.memory_space<vmem>>
    %dma_wait3A_35 = arith.constant 0 : i32
    %dma_wait3A_36 = arith.constant 0 : i32
    %dma_wait3A_37 = tpu.memref_slice %arg11[%dma_wait3A_35, %dma_wait3A_36] : memref<10112x32xf32, #tpu.memory_space<vmem_shared>> -> memref<10112x32xf32, #tpu.memory_space<vmem_shared>>
    tpu.wait_indirect_dma semaphore(%arg12 : memref<!tpu.dma_semaphore, #tpu.memory_space<semaphore_mem>>) src(%dma_wait3A_37 : memref<10112x32xf32, #tpu.memory_space<vmem_shared>>) dst(%arg8 : memref<125x32xf32, #tpu.memory_space<vmem>>)
    %dma_start3A_38 = arith.constant 78 : i32
    %dma_start3A_39 = arith.constant 0 : i32
    %dma_start3A_40 = tpu.memref_slice %arg7[%dma_start3A_38, %dma_start3A_39] : memref<80x125xi32, #tpu.memory_space<vmem>> -> memref<1x125xi32, #tpu.memory_space<vmem>>
    %dma_start3A_41 = tpu.memref_squeeze %dma_start3A_40 : memref<1x125xi32, #tpu.memory_space<vmem>> -> memref<125xi32, #tpu.memory_space<vmem>>
    %dma_start3A_42 = arith.constant 0 : i32
    %dma_start3A_43 = arith.constant 0 : i32
    %dma_start3A_44 = tpu.memref_slice %arg10[%dma_start3A_42, %dma_start3A_43] : memref<10112x32xf32, #tpu.memory_space<vmem_shared>> -> memref<10112x32xf32, #tpu.memory_space<vmem_shared>>
    tpu.enqueue_indirect_dma source(%arg8 : memref<125x32xf32, #tpu.memory_space<vmem>>) target(%dma_start3A_44 : memref<10112x32xf32, #tpu.memory_space<vmem_shared>>) offsets(%dma_start3A_41 : memref<125xi32, #tpu.memory_space<vmem>>) semaphore(%arg14 : memref<!tpu.dma_semaphore, #tpu.memory_space<semaphore_mem>>) {add = true}
    %dma_wait3A_45 = arith.constant 79 : i32
    %dma_wait3A_46 = arith.constant 0 : i32
    %dma_wait3A_47 = tpu.memref_slice %arg6[%dma_wait3A_45, %dma_wait3A_46] : memref<80x125xi32, #tpu.memory_space<vmem>> -> memref<1x125xi32, #tpu.memory_space<vmem>>
    %dma_wait3A_48 = tpu.memref_squeeze %dma_wait3A_47 : memref<1x125xi32, #tpu.memory_space<vmem>> -> memref<125xi32, #tpu.memory_space<vmem>>
    %dma_wait3A_49 = arith.constant 0 : i32
    %dma_wait3A_50 = arith.constant 0 : i32
    %dma_wait3A_51 = tpu.memref_slice %arg11[%dma_wait3A_49, %dma_wait3A_50] : memref<10112x32xf32, #tpu.memory_space<vmem_shared>> -> memref<10112x32xf32, #tpu.memory_space<vmem_shared>>
    tpu.wait_indirect_dma semaphore(%arg13 : memref<!tpu.dma_semaphore, #tpu.memory_space<semaphore_mem>>) src(%dma_wait3A_51 : memref<10112x32xf32, #tpu.memory_space<vmem_shared>>) dst(%arg9 : memref<125x32xf32, #tpu.memory_space<vmem>>)
    %dma_start3A_52 = arith.constant 79 : i32
    %dma_start3A_53 = arith.constant 0 : i32
    %dma_start3A_54 = tpu.memref_slice %arg7[%dma_start3A_52, %dma_start3A_53] : memref<80x125xi32, #tpu.memory_space<vmem>> -> memref<1x125xi32, #tpu.memory_space<vmem>>
    %dma_start3A_55 = tpu.memref_squeeze %dma_start3A_54 : memref<1x125xi32, #tpu.memory_space<vmem>> -> memref<125xi32, #tpu.memory_space<vmem>>
    %dma_start3A_56 = arith.constant 0 : i32
    %dma_start3A_57 = arith.constant 0 : i32
    %dma_start3A_58 = tpu.memref_slice %arg10[%dma_start3A_56, %dma_start3A_57] : memref<10112x32xf32, #tpu.memory_space<vmem_shared>> -> memref<10112x32xf32, #tpu.memory_space<vmem_shared>>
    tpu.enqueue_indirect_dma source(%arg9 : memref<125x32xf32, #tpu.memory_space<vmem>>) target(%dma_start3A_58 : memref<10112x32xf32, #tpu.memory_space<vmem_shared>>) offsets(%dma_start3A_55 : memref<125xi32, #tpu.memory_space<vmem>>) semaphore(%arg15 : memref<!tpu.dma_semaphore, #tpu.memory_space<semaphore_mem>>) {add = true}
    %dma_wait3A_59 = arith.constant 78 : i32
    %dma_wait3A_60 = arith.constant 0 : i32
    %dma_wait3A_61 = tpu.memref_slice %arg7[%dma_wait3A_59, %dma_wait3A_60] : memref<80x125xi32, #tpu.memory_space<vmem>> -> memref<1x125xi32, #tpu.memory_space<vmem>>
    %dma_wait3A_62 = tpu.memref_squeeze %dma_wait3A_61 : memref<1x125xi32, #tpu.memory_space<vmem>> -> memref<125xi32, #tpu.memory_space<vmem>>
    %dma_wait3A_63 = arith.constant 0 : i32
    %dma_wait3A_64 = arith.constant 0 : i32
    %dma_wait3A_65 = tpu.memref_slice %arg10[%dma_wait3A_63, %dma_wait3A_64] : memref<10112x32xf32, #tpu.memory_space<vmem_shared>> -> memref<10112x32xf32, #tpu.memory_space<vmem_shared>>
    tpu.wait_indirect_dma semaphore(%arg14 : memref<!tpu.dma_semaphore, #tpu.memory_space<semaphore_mem>>) src(%arg8 : memref<125x32xf32, #tpu.memory_space<vmem>>) dst(%dma_wait3A_65 : memref<10112x32xf32, #tpu.memory_space<vmem_shared>>)
    %dma_wait3A_66 = arith.constant 79 : i32
    %dma_wait3A_67 = arith.constant 0 : i32
    %dma_wait3A_68 = tpu.memref_slice %arg7[%dma_wait3A_66, %dma_wait3A_67] : memref<80x125xi32, #tpu.memory_space<vmem>> -> memref<1x125xi32, #tpu.memory_space<vmem>>
    %dma_wait3A_69 = tpu.memref_squeeze %dma_wait3A_68 : memref<1x125xi32, #tpu.memory_space<vmem>> -> memref<125xi32, #tpu.memory_space<vmem>>
    %dma_wait3A_70 = arith.constant 0 : i32
    %dma_wait3A_71 = arith.constant 0 : i32
    %dma_wait3A_72 = tpu.memref_slice %arg10[%dma_wait3A_70, %dma_wait3A_71] : memref<10112x32xf32, #tpu.memory_space<vmem_shared>> -> memref<10112x32xf32, #tpu.memory_space<vmem_shared>>
    tpu.wait_indirect_dma semaphore(%arg15 : memref<!tpu.dma_semaphore, #tpu.memory_space<semaphore_mem>>) src(%arg9 : memref<125x32xf32, #tpu.memory_space<vmem>>) dst(%dma_wait3A_72 : memref<10112x32xf32, #tpu.memory_space<vmem_shared>>)
    %barrier3A_73 = arith.constant 0 : index
    tpu.barrier barrier_id(%barrier3A_73)
    %mul3A_74 = arith.constant 632 : i32
    %mul3A_75 = arith.muli %arg1, %mul3A_74 : i32
    %mul3A_76 = arith.constant 632 : i32
    %mul3A_77 = arith.muli %arg1, %mul3A_76 : i32
    %mul3A_78 = arith.constant 32 : i32
    %mul3A_79 = arith.muli %arg0, %mul3A_78 : i32
    "tpu.region"() ({
      %run_scoped3A_80 = tpu.sem_alloc : memref<!tpu.dma_semaphore, #tpu.memory_space<semaphore_mem>>
      %dma_start3A_81 = tpu.memref_slice %arg5[%mul3A_77, %mul3A_79] : memref<10112x128xf32, #tpu.memory_space<hbm>> -> memref<632x32xf32, #tpu.memory_space<hbm>>
      %dma_start3A_82 = arith.constant 0 : i32
      %dma_start3A_83 = tpu.memref_slice %arg10[%mul3A_75, %dma_start3A_82] : memref<10112x32xf32, #tpu.memory_space<vmem_shared>> -> memref<632x32xf32, #tpu.memory_space<vmem_shared>>
      tpu.enqueue_dma source(%dma_start3A_83 : memref<632x32xf32, #tpu.memory_space<vmem_shared>>) target(%dma_start3A_81 : memref<632x32xf32, #tpu.memory_space<hbm>>) target_semaphore(%run_scoped3A_80 : memref<!tpu.dma_semaphore, #tpu.memory_space<semaphore_mem>>)
      %dma_wait3A_84 = tpu.memref_slice %arg5[%mul3A_77, %mul3A_79] : memref<10112x128xf32, #tpu.memory_space<hbm>> -> memref<632x32xf32, #tpu.memory_space<hbm>>
      %dma_wait3A_85 = arith.constant 0 : i32
      %dma_wait3A_86 = tpu.memref_slice %arg10[%mul3A_75, %dma_wait3A_85] : memref<10112x32xf32, #tpu.memory_space<vmem_shared>> -> memref<632x32xf32, #tpu.memory_space<vmem_shared>>
      tpu.wait_dma2 semaphore(%run_scoped3A_80 : memref<!tpu.dma_semaphore, #tpu.memory_space<semaphore_mem>>) src(%dma_wait3A_86 : memref<632x32xf32, #tpu.memory_space<vmem_shared>>) dst(%dma_wait3A_84 : memref<632x32xf32, #tpu.memory_space<hbm>>)
      tpu.yield
    }) : () -> ()
    return
  }
}

#map = affine_map<(d0, d1) -> (0, 0)>
#map1 = affine_map<(d0, d1) -> (0, 0, 0)>
module attributes {stable_mosaic.version = 14 : i64} {
  func.func @seg_kernel(%arg0: i32, %arg1: i32, %arg2: memref<10112x128xf32, #tpu.memory_space<hbm>>, %arg3: memref<2x2560x125xi32, #tpu.memory_space<hbm>>, %arg4: memref<10112x64xf32, #tpu.memory_space<hbm>>, %arg5: memref<10112x128xf32, #tpu.memory_space<hbm>>, %arg6: memref<80x125xi32, #tpu.memory_space<vmem>>, %arg7: memref<80x125xi32, #tpu.memory_space<vmem>>, %arg8: memref<125x64xf32, #tpu.memory_space<vmem>>, %arg9: memref<125x64xf32, #tpu.memory_space<vmem>>, %arg10: memref<10112x64xf32, #tpu.memory_space<vmem_shared>>, %arg11: memref<10112x64xf32, #tpu.memory_space<vmem_shared>>, %arg12: memref<!tpu.dma_semaphore, #tpu.memory_space<semaphore_mem>>, %arg13: memref<!tpu.dma_semaphore, #tpu.memory_space<semaphore_mem>>, %arg14: memref<!tpu.dma_semaphore, #tpu.memory_space<semaphore_mem>>, %arg15: memref<!tpu.dma_semaphore, #tpu.memory_space<semaphore_mem>>) attributes {dimension_semantics = [#tpu.dimension_semantics<core_parallel>, #tpu.dimension_semantics<subcore_parallel>], iteration_bounds = array<i64: 2, 16>, scalar_prefetch = 0 : i64, scratch_operands = 10 : i64, tpu.core_type = #tpu.core_type<sc_vector_subcore>, window_params = [{transform_indices = #map}, {transform_indices = #map1}, {transform_indices = #map}, {transform_indices = #map}]} {
    %mul3A = arith.constant 16 : i32
    %mul3A_0 = arith.muli %arg0, %mul3A : i32
    %add3A = arith.addi %mul3A_0, %arg1 : i32
    %mul3A_1 = arith.constant 80 : i32
    %mul3A_2 = arith.muli %add3A, %mul3A_1 : i32
    %run_scoped3A = arith.constant 0 : i32
    "tpu.region"() ({
      %run_scoped3A_80 = tpu.sem_alloc : memref<!tpu.dma_semaphore, #tpu.memory_space<semaphore_mem>>
      %dma_start3A_81 = arith.constant 0 : i32
      %dma_start3A_82 = tpu.memref_slice %arg3[%run_scoped3A, %mul3A_2, %dma_start3A_81] : memref<2x2560x125xi32, #tpu.memory_space<hbm>> -> memref<1x80x125xi32, #tpu.memory_space<hbm>>
      %dma_start3A_83 = tpu.memref_squeeze %dma_start3A_82 : memref<1x80x125xi32, #tpu.memory_space<hbm>> -> memref<80x125xi32, #tpu.memory_space<hbm>>
      %dma_start3A_84 = arith.constant 0 : i32
      %dma_start3A_85 = tpu.memref_slice %arg3[%run_scoped3A, %mul3A_2, %dma_start3A_84] : memref<2x2560x125xi32, #tpu.memory_space<hbm>> -> memref<1x80x125xi32, #tpu.memory_space<hbm>>
      %dma_start3A_86 = tpu.memref_squeeze %dma_start3A_85 : memref<1x80x125xi32, #tpu.memory_space<hbm>> -> memref<80x125xi32, #tpu.memory_space<hbm>>
      tpu.enqueue_dma source(%dma_start3A_86 : memref<80x125xi32, #tpu.memory_space<hbm>>) target(%arg6 : memref<80x125xi32, #tpu.memory_space<vmem>>) target_semaphore(%run_scoped3A_80 : memref<!tpu.dma_semaphore, #tpu.memory_space<semaphore_mem>>)
      %dma_wait3A_87 = arith.constant 0 : i32
      %dma_wait3A_88 = tpu.memref_slice %arg3[%run_scoped3A, %mul3A_2, %dma_wait3A_87] : memref<2x2560x125xi32, #tpu.memory_space<hbm>> -> memref<1x80x125xi32, #tpu.memory_space<hbm>>
      %dma_wait3A_89 = tpu.memref_squeeze %dma_wait3A_88 : memref<1x80x125xi32, #tpu.memory_space<hbm>> -> memref<80x125xi32, #tpu.memory_space<hbm>>
      %dma_wait3A_90 = arith.constant 0 : i32
      %dma_wait3A_91 = tpu.memref_slice %arg3[%run_scoped3A, %mul3A_2, %dma_wait3A_90] : memref<2x2560x125xi32, #tpu.memory_space<hbm>> -> memref<1x80x125xi32, #tpu.memory_space<hbm>>
      %dma_wait3A_92 = tpu.memref_squeeze %dma_wait3A_91 : memref<1x80x125xi32, #tpu.memory_space<hbm>> -> memref<80x125xi32, #tpu.memory_space<hbm>>
      tpu.wait_dma2 semaphore(%run_scoped3A_80 : memref<!tpu.dma_semaphore, #tpu.memory_space<semaphore_mem>>) src(%dma_wait3A_92 : memref<80x125xi32, #tpu.memory_space<hbm>>) dst(%arg6 : memref<80x125xi32, #tpu.memory_space<vmem>>)
      tpu.yield
    }) : () -> ()
    %mul3A_3 = arith.constant 80 : i32
    %mul3A_4 = arith.muli %add3A, %mul3A_3 : i32
    %run_scoped3A_5 = arith.constant 1 : i32
    "tpu.region"() ({
      %run_scoped3A_80 = tpu.sem_alloc : memref<!tpu.dma_semaphore, #tpu.memory_space<semaphore_mem>>
      %dma_start3A_81 = arith.constant 0 : i32
      %dma_start3A_82 = tpu.memref_slice %arg3[%run_scoped3A_5, %mul3A_4, %dma_start3A_81] : memref<2x2560x125xi32, #tpu.memory_space<hbm>> -> memref<1x80x125xi32, #tpu.memory_space<hbm>>
      %dma_start3A_83 = tpu.memref_squeeze %dma_start3A_82 : memref<1x80x125xi32, #tpu.memory_space<hbm>> -> memref<80x125xi32, #tpu.memory_space<hbm>>
      %dma_start3A_84 = arith.constant 0 : i32
      %dma_start3A_85 = tpu.memref_slice %arg3[%run_scoped3A_5, %mul3A_4, %dma_start3A_84] : memref<2x2560x125xi32, #tpu.memory_space<hbm>> -> memref<1x80x125xi32, #tpu.memory_space<hbm>>
      %dma_start3A_86 = tpu.memref_squeeze %dma_start3A_85 : memref<1x80x125xi32, #tpu.memory_space<hbm>> -> memref<80x125xi32, #tpu.memory_space<hbm>>
      tpu.enqueue_dma source(%dma_start3A_86 : memref<80x125xi32, #tpu.memory_space<hbm>>) target(%arg7 : memref<80x125xi32, #tpu.memory_space<vmem>>) target_semaphore(%run_scoped3A_80 : memref<!tpu.dma_semaphore, #tpu.memory_space<semaphore_mem>>)
      %dma_wait3A_87 = arith.constant 0 : i32
      %dma_wait3A_88 = tpu.memref_slice %arg3[%run_scoped3A_5, %mul3A_4, %dma_wait3A_87] : memref<2x2560x125xi32, #tpu.memory_space<hbm>> -> memref<1x80x125xi32, #tpu.memory_space<hbm>>
      %dma_wait3A_89 = tpu.memref_squeeze %dma_wait3A_88 : memref<1x80x125xi32, #tpu.memory_space<hbm>> -> memref<80x125xi32, #tpu.memory_space<hbm>>
      %dma_wait3A_90 = arith.constant 0 : i32
      %dma_wait3A_91 = tpu.memref_slice %arg3[%run_scoped3A_5, %mul3A_4, %dma_wait3A_90] : memref<2x2560x125xi32, #tpu.memory_space<hbm>> -> memref<1x80x125xi32, #tpu.memory_space<hbm>>
      %dma_wait3A_92 = tpu.memref_squeeze %dma_wait3A_91 : memref<1x80x125xi32, #tpu.memory_space<hbm>> -> memref<80x125xi32, #tpu.memory_space<hbm>>
      tpu.wait_dma2 semaphore(%run_scoped3A_80 : memref<!tpu.dma_semaphore, #tpu.memory_space<semaphore_mem>>) src(%dma_wait3A_92 : memref<80x125xi32, #tpu.memory_space<hbm>>) dst(%arg7 : memref<80x125xi32, #tpu.memory_space<vmem>>)
      tpu.yield
    }) : () -> ()
    %mul3A_6 = arith.constant 632 : i32
    %mul3A_7 = arith.muli %arg1, %mul3A_6 : i32
    %mul3A_8 = arith.constant 632 : i32
    %mul3A_9 = arith.muli %arg1, %mul3A_8 : i32
    "tpu.region"() ({
      %run_scoped3A_80 = tpu.sem_alloc : memref<!tpu.dma_semaphore, #tpu.memory_space<semaphore_mem>>
      %dma_start3A_81 = arith.constant 0 : i32
      %dma_start3A_82 = tpu.memref_slice %arg10[%mul3A_9, %dma_start3A_81] : memref<10112x64xf32, #tpu.memory_space<vmem_shared>> -> memref<632x64xf32, #tpu.memory_space<vmem_shared>>
      %dma_start3A_83 = arith.constant 0 : i32
      %dma_start3A_84 = tpu.memref_slice %arg4[%mul3A_7, %dma_start3A_83] : memref<10112x64xf32, #tpu.memory_space<hbm>> -> memref<632x64xf32, #tpu.memory_space<hbm>>
      tpu.enqueue_dma source(%dma_start3A_84 : memref<632x64xf32, #tpu.memory_space<hbm>>) target(%dma_start3A_82 : memref<632x64xf32, #tpu.memory_space<vmem_shared>>) target_semaphore(%run_scoped3A_80 : memref<!tpu.dma_semaphore, #tpu.memory_space<semaphore_mem>>)
      %dma_wait3A_85 = arith.constant 0 : i32
      %dma_wait3A_86 = tpu.memref_slice %arg10[%mul3A_9, %dma_wait3A_85] : memref<10112x64xf32, #tpu.memory_space<vmem_shared>> -> memref<632x64xf32, #tpu.memory_space<vmem_shared>>
      %dma_wait3A_87 = arith.constant 0 : i32
      %dma_wait3A_88 = tpu.memref_slice %arg4[%mul3A_7, %dma_wait3A_87] : memref<10112x64xf32, #tpu.memory_space<hbm>> -> memref<632x64xf32, #tpu.memory_space<hbm>>
      tpu.wait_dma2 semaphore(%run_scoped3A_80 : memref<!tpu.dma_semaphore, #tpu.memory_space<semaphore_mem>>) src(%dma_wait3A_88 : memref<632x64xf32, #tpu.memory_space<hbm>>) dst(%dma_wait3A_86 : memref<632x64xf32, #tpu.memory_space<vmem_shared>>)
      tpu.yield
    }) : () -> ()
    %mul3A_10 = arith.constant 632 : i32
    %mul3A_11 = arith.muli %arg1, %mul3A_10 : i32
    %mul3A_12 = arith.constant 632 : i32
    %mul3A_13 = arith.muli %arg1, %mul3A_12 : i32
    "tpu.region"() ({
      %run_scoped3A_80 = tpu.sem_alloc : memref<!tpu.dma_semaphore, #tpu.memory_space<semaphore_mem>>
      %dma_start3A_81 = arith.constant 0 : i32
      %dma_start3A_82 = tpu.memref_slice %arg11[%mul3A_13, %dma_start3A_81] : memref<10112x64xf32, #tpu.memory_space<vmem_shared>> -> memref<632x64xf32, #tpu.memory_space<vmem_shared>>
      %dma_start3A_83 = arith.constant 0 : i32
      %dma_start3A_84 = tpu.memref_slice %arg2[%mul3A_11, %dma_start3A_83] : memref<10112x128xf32, #tpu.memory_space<hbm>> -> memref<632x64xf32, #tpu.memory_space<hbm>>
      tpu.enqueue_dma source(%dma_start3A_84 : memref<632x64xf32, #tpu.memory_space<hbm>>) target(%dma_start3A_82 : memref<632x64xf32, #tpu.memory_space<vmem_shared>>) target_semaphore(%run_scoped3A_80 : memref<!tpu.dma_semaphore, #tpu.memory_space<semaphore_mem>>)
      %dma_wait3A_85 = arith.constant 0 : i32
      %dma_wait3A_86 = tpu.memref_slice %arg11[%mul3A_13, %dma_wait3A_85] : memref<10112x64xf32, #tpu.memory_space<vmem_shared>> -> memref<632x64xf32, #tpu.memory_space<vmem_shared>>
      %dma_wait3A_87 = arith.constant 0 : i32
      %dma_wait3A_88 = tpu.memref_slice %arg2[%mul3A_11, %dma_wait3A_87] : memref<10112x128xf32, #tpu.memory_space<hbm>> -> memref<632x64xf32, #tpu.memory_space<hbm>>
      tpu.wait_dma2 semaphore(%run_scoped3A_80 : memref<!tpu.dma_semaphore, #tpu.memory_space<semaphore_mem>>) src(%dma_wait3A_88 : memref<632x64xf32, #tpu.memory_space<hbm>>) dst(%dma_wait3A_86 : memref<632x64xf32, #tpu.memory_space<vmem_shared>>)
      tpu.yield
    }) : () -> ()
    %barrier3A = arith.constant 0 : index
    tpu.barrier barrier_id(%barrier3A)
    %dma_start3A = arith.constant 0 : i32
    %dma_start3A_14 = arith.constant 0 : i32
    %dma_start3A_15 = tpu.memref_slice %arg6[%dma_start3A, %dma_start3A_14] : memref<80x125xi32, #tpu.memory_space<vmem>> -> memref<1x125xi32, #tpu.memory_space<vmem>>
    %dma_start3A_16 = tpu.memref_squeeze %dma_start3A_15 : memref<1x125xi32, #tpu.memory_space<vmem>> -> memref<125xi32, #tpu.memory_space<vmem>>
    %dma_start3A_17 = arith.constant 0 : i32
    %dma_start3A_18 = arith.constant 0 : i32
    %dma_start3A_19 = tpu.memref_slice %arg11[%dma_start3A_17, %dma_start3A_18] : memref<10112x64xf32, #tpu.memory_space<vmem_shared>> -> memref<10112x64xf32, #tpu.memory_space<vmem_shared>>
    tpu.enqueue_indirect_dma source(%dma_start3A_19 : memref<10112x64xf32, #tpu.memory_space<vmem_shared>>) target(%arg8 : memref<125x64xf32, #tpu.memory_space<vmem>>) offsets(%dma_start3A_16 : memref<125xi32, #tpu.memory_space<vmem>>) semaphore(%arg12 : memref<!tpu.dma_semaphore, #tpu.memory_space<semaphore_mem>>)
    %dma_start3A_20 = arith.constant 1 : i32
    %dma_start3A_21 = arith.constant 0 : i32
    %dma_start3A_22 = tpu.memref_slice %arg6[%dma_start3A_20, %dma_start3A_21] : memref<80x125xi32, #tpu.memory_space<vmem>> -> memref<1x125xi32, #tpu.memory_space<vmem>>
    %dma_start3A_23 = tpu.memref_squeeze %dma_start3A_22 : memref<1x125xi32, #tpu.memory_space<vmem>> -> memref<125xi32, #tpu.memory_space<vmem>>
    %dma_start3A_24 = arith.constant 0 : i32
    %dma_start3A_25 = arith.constant 0 : i32
    %dma_start3A_26 = tpu.memref_slice %arg11[%dma_start3A_24, %dma_start3A_25] : memref<10112x64xf32, #tpu.memory_space<vmem_shared>> -> memref<10112x64xf32, #tpu.memory_space<vmem_shared>>
    tpu.enqueue_indirect_dma source(%dma_start3A_26 : memref<10112x64xf32, #tpu.memory_space<vmem_shared>>) target(%arg9 : memref<125x64xf32, #tpu.memory_space<vmem>>) offsets(%dma_start3A_23 : memref<125xi32, #tpu.memory_space<vmem>>) semaphore(%arg13 : memref<!tpu.dma_semaphore, #tpu.memory_space<semaphore_mem>>)
    %scan3A = arith.constant 0 : i32
    %scan3A_27 = arith.constant 0 : i32
    %scan3A_28 = arith.constant 39 : i32
    %scan3A_29 = arith.addi %scan3A_27, %scan3A_28 : i32
    %scan3A_30 = arith.constant 1 : i32
    scf.for %scan3A_80 = %scan3A_27 to %scan3A_29 step %scan3A_30  : i32 {
      %mul3A_81 = arith.constant 2 : i32
      %mul3A_82 = arith.muli %mul3A_81, %scan3A_80 : i32
      %add3A_83 = arith.constant 0 : i32
      %add3A_84 = arith.addi %mul3A_82, %add3A_83 : i32
      %dma_wait3A_85 = arith.constant 0 : i32
      %dma_wait3A_86 = tpu.memref_slice %arg6[%add3A_84, %dma_wait3A_85] : memref<80x125xi32, #tpu.memory_space<vmem>> -> memref<1x125xi32, #tpu.memory_space<vmem>>
      %dma_wait3A_87 = tpu.memref_squeeze %dma_wait3A_86 : memref<1x125xi32, #tpu.memory_space<vmem>> -> memref<125xi32, #tpu.memory_space<vmem>>
      %dma_wait3A_88 = arith.constant 0 : i32
      %dma_wait3A_89 = arith.constant 0 : i32
      %dma_wait3A_90 = tpu.memref_slice %arg11[%dma_wait3A_88, %dma_wait3A_89] : memref<10112x64xf32, #tpu.memory_space<vmem_shared>> -> memref<10112x64xf32, #tpu.memory_space<vmem_shared>>
      tpu.wait_indirect_dma semaphore(%arg12 : memref<!tpu.dma_semaphore, #tpu.memory_space<semaphore_mem>>) src(%dma_wait3A_90 : memref<10112x64xf32, #tpu.memory_space<vmem_shared>>) dst(%arg8 : memref<125x64xf32, #tpu.memory_space<vmem>>)
      %add3A_91 = arith.constant 0 : i32
      %add3A_92 = arith.addi %mul3A_82, %add3A_91 : i32
      %dma_start3A_93 = arith.constant 0 : i32
      %dma_start3A_94 = tpu.memref_slice %arg7[%add3A_92, %dma_start3A_93] : memref<80x125xi32, #tpu.memory_space<vmem>> -> memref<1x125xi32, #tpu.memory_space<vmem>>
      %dma_start3A_95 = tpu.memref_squeeze %dma_start3A_94 : memref<1x125xi32, #tpu.memory_space<vmem>> -> memref<125xi32, #tpu.memory_space<vmem>>
      %dma_start3A_96 = arith.constant 0 : i32
      %dma_start3A_97 = arith.constant 0 : i32
      %dma_start3A_98 = tpu.memref_slice %arg10[%dma_start3A_96, %dma_start3A_97] : memref<10112x64xf32, #tpu.memory_space<vmem_shared>> -> memref<10112x64xf32, #tpu.memory_space<vmem_shared>>
      tpu.enqueue_indirect_dma source(%arg8 : memref<125x64xf32, #tpu.memory_space<vmem>>) target(%dma_start3A_98 : memref<10112x64xf32, #tpu.memory_space<vmem_shared>>) offsets(%dma_start3A_95 : memref<125xi32, #tpu.memory_space<vmem>>) semaphore(%arg14 : memref<!tpu.dma_semaphore, #tpu.memory_space<semaphore_mem>>) {add = true}
      %add3A_99 = arith.constant 1 : i32
      %add3A_100 = arith.addi %mul3A_82, %add3A_99 : i32
      %dma_wait3A_101 = arith.constant 0 : i32
      %dma_wait3A_102 = tpu.memref_slice %arg6[%add3A_100, %dma_wait3A_101] : memref<80x125xi32, #tpu.memory_space<vmem>> -> memref<1x125xi32, #tpu.memory_space<vmem>>
      %dma_wait3A_103 = tpu.memref_squeeze %dma_wait3A_102 : memref<1x125xi32, #tpu.memory_space<vmem>> -> memref<125xi32, #tpu.memory_space<vmem>>
      %dma_wait3A_104 = arith.constant 0 : i32
      %dma_wait3A_105 = arith.constant 0 : i32
      %dma_wait3A_106 = tpu.memref_slice %arg11[%dma_wait3A_104, %dma_wait3A_105] : memref<10112x64xf32, #tpu.memory_space<vmem_shared>> -> memref<10112x64xf32, #tpu.memory_space<vmem_shared>>
      tpu.wait_indirect_dma semaphore(%arg13 : memref<!tpu.dma_semaphore, #tpu.memory_space<semaphore_mem>>) src(%dma_wait3A_106 : memref<10112x64xf32, #tpu.memory_space<vmem_shared>>) dst(%arg9 : memref<125x64xf32, #tpu.memory_space<vmem>>)
      %add3A_107 = arith.constant 1 : i32
      %add3A_108 = arith.addi %mul3A_82, %add3A_107 : i32
      %dma_start3A_109 = arith.constant 0 : i32
      %dma_start3A_110 = tpu.memref_slice %arg7[%add3A_108, %dma_start3A_109] : memref<80x125xi32, #tpu.memory_space<vmem>> -> memref<1x125xi32, #tpu.memory_space<vmem>>
      %dma_start3A_111 = tpu.memref_squeeze %dma_start3A_110 : memref<1x125xi32, #tpu.memory_space<vmem>> -> memref<125xi32, #tpu.memory_space<vmem>>
      %dma_start3A_112 = arith.constant 0 : i32
      %dma_start3A_113 = arith.constant 0 : i32
      %dma_start3A_114 = tpu.memref_slice %arg10[%dma_start3A_112, %dma_start3A_113] : memref<10112x64xf32, #tpu.memory_space<vmem_shared>> -> memref<10112x64xf32, #tpu.memory_space<vmem_shared>>
      tpu.enqueue_indirect_dma source(%arg9 : memref<125x64xf32, #tpu.memory_space<vmem>>) target(%dma_start3A_114 : memref<10112x64xf32, #tpu.memory_space<vmem_shared>>) offsets(%dma_start3A_111 : memref<125xi32, #tpu.memory_space<vmem>>) semaphore(%arg15 : memref<!tpu.dma_semaphore, #tpu.memory_space<semaphore_mem>>) {add = true}
      %add3A_115 = arith.constant 0 : i32
      %add3A_116 = arith.addi %mul3A_82, %add3A_115 : i32
      %dma_wait3A_117 = arith.constant 0 : i32
      %dma_wait3A_118 = tpu.memref_slice %arg7[%add3A_116, %dma_wait3A_117] : memref<80x125xi32, #tpu.memory_space<vmem>> -> memref<1x125xi32, #tpu.memory_space<vmem>>
      %dma_wait3A_119 = tpu.memref_squeeze %dma_wait3A_118 : memref<1x125xi32, #tpu.memory_space<vmem>> -> memref<125xi32, #tpu.memory_space<vmem>>
      %dma_wait3A_120 = arith.constant 0 : i32
      %dma_wait3A_121 = arith.constant 0 : i32
      %dma_wait3A_122 = tpu.memref_slice %arg10[%dma_wait3A_120, %dma_wait3A_121] : memref<10112x64xf32, #tpu.memory_space<vmem_shared>> -> memref<10112x64xf32, #tpu.memory_space<vmem_shared>>
      tpu.wait_indirect_dma semaphore(%arg14 : memref<!tpu.dma_semaphore, #tpu.memory_space<semaphore_mem>>) src(%arg8 : memref<125x64xf32, #tpu.memory_space<vmem>>) dst(%dma_wait3A_122 : memref<10112x64xf32, #tpu.memory_space<vmem_shared>>)
      %add3A_123 = arith.constant 2 : i32
      %add3A_124 = arith.addi %mul3A_82, %add3A_123 : i32
      %add3A_125 = arith.constant 0 : i32
      %add3A_126 = arith.addi %add3A_124, %add3A_125 : i32
      %dma_start3A_127 = arith.constant 0 : i32
      %dma_start3A_128 = tpu.memref_slice %arg6[%add3A_126, %dma_start3A_127] : memref<80x125xi32, #tpu.memory_space<vmem>> -> memref<1x125xi32, #tpu.memory_space<vmem>>
      %dma_start3A_129 = tpu.memref_squeeze %dma_start3A_128 : memref<1x125xi32, #tpu.memory_space<vmem>> -> memref<125xi32, #tpu.memory_space<vmem>>
      %dma_start3A_130 = arith.constant 0 : i32
      %dma_start3A_131 = arith.constant 0 : i32
      %dma_start3A_132 = tpu.memref_slice %arg11[%dma_start3A_130, %dma_start3A_131] : memref<10112x64xf32, #tpu.memory_space<vmem_shared>> -> memref<10112x64xf32, #tpu.memory_space<vmem_shared>>
      tpu.enqueue_indirect_dma source(%dma_start3A_132 : memref<10112x64xf32, #tpu.memory_space<vmem_shared>>) target(%arg8 : memref<125x64xf32, #tpu.memory_space<vmem>>) offsets(%dma_start3A_129 : memref<125xi32, #tpu.memory_space<vmem>>) semaphore(%arg12 : memref<!tpu.dma_semaphore, #tpu.memory_space<semaphore_mem>>)
      %add3A_133 = arith.constant 1 : i32
      %add3A_134 = arith.addi %mul3A_82, %add3A_133 : i32
      %dma_wait3A_135 = arith.constant 0 : i32
      %dma_wait3A_136 = tpu.memref_slice %arg7[%add3A_134, %dma_wait3A_135] : memref<80x125xi32, #tpu.memory_space<vmem>> -> memref<1x125xi32, #tpu.memory_space<vmem>>
      %dma_wait3A_137 = tpu.memref_squeeze %dma_wait3A_136 : memref<1x125xi32, #tpu.memory_space<vmem>> -> memref<125xi32, #tpu.memory_space<vmem>>
      %dma_wait3A_138 = arith.constant 0 : i32
      %dma_wait3A_139 = arith.constant 0 : i32
      %dma_wait3A_140 = tpu.memref_slice %arg10[%dma_wait3A_138, %dma_wait3A_139] : memref<10112x64xf32, #tpu.memory_space<vmem_shared>> -> memref<10112x64xf32, #tpu.memory_space<vmem_shared>>
      tpu.wait_indirect_dma semaphore(%arg15 : memref<!tpu.dma_semaphore, #tpu.memory_space<semaphore_mem>>) src(%arg9 : memref<125x64xf32, #tpu.memory_space<vmem>>) dst(%dma_wait3A_140 : memref<10112x64xf32, #tpu.memory_space<vmem_shared>>)
      %add3A_141 = arith.constant 2 : i32
      %add3A_142 = arith.addi %mul3A_82, %add3A_141 : i32
      %add3A_143 = arith.constant 1 : i32
      %add3A_144 = arith.addi %add3A_142, %add3A_143 : i32
      %dma_start3A_145 = arith.constant 0 : i32
      %dma_start3A_146 = tpu.memref_slice %arg6[%add3A_144, %dma_start3A_145] : memref<80x125xi32, #tpu.memory_space<vmem>> -> memref<1x125xi32, #tpu.memory_space<vmem>>
      %dma_start3A_147 = tpu.memref_squeeze %dma_start3A_146 : memref<1x125xi32, #tpu.memory_space<vmem>> -> memref<125xi32, #tpu.memory_space<vmem>>
      %dma_start3A_148 = arith.constant 0 : i32
      %dma_start3A_149 = arith.constant 0 : i32
      %dma_start3A_150 = tpu.memref_slice %arg11[%dma_start3A_148, %dma_start3A_149] : memref<10112x64xf32, #tpu.memory_space<vmem_shared>> -> memref<10112x64xf32, #tpu.memory_space<vmem_shared>>
      tpu.enqueue_indirect_dma source(%dma_start3A_150 : memref<10112x64xf32, #tpu.memory_space<vmem_shared>>) target(%arg9 : memref<125x64xf32, #tpu.memory_space<vmem>>) offsets(%dma_start3A_147 : memref<125xi32, #tpu.memory_space<vmem>>) semaphore(%arg13 : memref<!tpu.dma_semaphore, #tpu.memory_space<semaphore_mem>>)
    }
    %scan3A_31 = arith.constant 39 : i32
    %dma_wait3A = arith.constant 78 : i32
    %dma_wait3A_32 = arith.constant 0 : i32
    %dma_wait3A_33 = tpu.memref_slice %arg6[%dma_wait3A, %dma_wait3A_32] : memref<80x125xi32, #tpu.memory_space<vmem>> -> memref<1x125xi32, #tpu.memory_space<vmem>>
    %dma_wait3A_34 = tpu.memref_squeeze %dma_wait3A_33 : memref<1x125xi32, #tpu.memory_space<vmem>> -> memref<125xi32, #tpu.memory_space<vmem>>
    %dma_wait3A_35 = arith.constant 0 : i32
    %dma_wait3A_36 = arith.constant 0 : i32
    %dma_wait3A_37 = tpu.memref_slice %arg11[%dma_wait3A_35, %dma_wait3A_36] : memref<10112x64xf32, #tpu.memory_space<vmem_shared>> -> memref<10112x64xf32, #tpu.memory_space<vmem_shared>>
    tpu.wait_indirect_dma semaphore(%arg12 : memref<!tpu.dma_semaphore, #tpu.memory_space<semaphore_mem>>) src(%dma_wait3A_37 : memref<10112x64xf32, #tpu.memory_space<vmem_shared>>) dst(%arg8 : memref<125x64xf32, #tpu.memory_space<vmem>>)
    %dma_start3A_38 = arith.constant 78 : i32
    %dma_start3A_39 = arith.constant 0 : i32
    %dma_start3A_40 = tpu.memref_slice %arg7[%dma_start3A_38, %dma_start3A_39] : memref<80x125xi32, #tpu.memory_space<vmem>> -> memref<1x125xi32, #tpu.memory_space<vmem>>
    %dma_start3A_41 = tpu.memref_squeeze %dma_start3A_40 : memref<1x125xi32, #tpu.memory_space<vmem>> -> memref<125xi32, #tpu.memory_space<vmem>>
    %dma_start3A_42 = arith.constant 0 : i32
    %dma_start3A_43 = arith.constant 0 : i32
    %dma_start3A_44 = tpu.memref_slice %arg10[%dma_start3A_42, %dma_start3A_43] : memref<10112x64xf32, #tpu.memory_space<vmem_shared>> -> memref<10112x64xf32, #tpu.memory_space<vmem_shared>>
    tpu.enqueue_indirect_dma source(%arg8 : memref<125x64xf32, #tpu.memory_space<vmem>>) target(%dma_start3A_44 : memref<10112x64xf32, #tpu.memory_space<vmem_shared>>) offsets(%dma_start3A_41 : memref<125xi32, #tpu.memory_space<vmem>>) semaphore(%arg14 : memref<!tpu.dma_semaphore, #tpu.memory_space<semaphore_mem>>) {add = true}
    %dma_wait3A_45 = arith.constant 79 : i32
    %dma_wait3A_46 = arith.constant 0 : i32
    %dma_wait3A_47 = tpu.memref_slice %arg6[%dma_wait3A_45, %dma_wait3A_46] : memref<80x125xi32, #tpu.memory_space<vmem>> -> memref<1x125xi32, #tpu.memory_space<vmem>>
    %dma_wait3A_48 = tpu.memref_squeeze %dma_wait3A_47 : memref<1x125xi32, #tpu.memory_space<vmem>> -> memref<125xi32, #tpu.memory_space<vmem>>
    %dma_wait3A_49 = arith.constant 0 : i32
    %dma_wait3A_50 = arith.constant 0 : i32
    %dma_wait3A_51 = tpu.memref_slice %arg11[%dma_wait3A_49, %dma_wait3A_50] : memref<10112x64xf32, #tpu.memory_space<vmem_shared>> -> memref<10112x64xf32, #tpu.memory_space<vmem_shared>>
    tpu.wait_indirect_dma semaphore(%arg13 : memref<!tpu.dma_semaphore, #tpu.memory_space<semaphore_mem>>) src(%dma_wait3A_51 : memref<10112x64xf32, #tpu.memory_space<vmem_shared>>) dst(%arg9 : memref<125x64xf32, #tpu.memory_space<vmem>>)
    %dma_start3A_52 = arith.constant 79 : i32
    %dma_start3A_53 = arith.constant 0 : i32
    %dma_start3A_54 = tpu.memref_slice %arg7[%dma_start3A_52, %dma_start3A_53] : memref<80x125xi32, #tpu.memory_space<vmem>> -> memref<1x125xi32, #tpu.memory_space<vmem>>
    %dma_start3A_55 = tpu.memref_squeeze %dma_start3A_54 : memref<1x125xi32, #tpu.memory_space<vmem>> -> memref<125xi32, #tpu.memory_space<vmem>>
    %dma_start3A_56 = arith.constant 0 : i32
    %dma_start3A_57 = arith.constant 0 : i32
    %dma_start3A_58 = tpu.memref_slice %arg10[%dma_start3A_56, %dma_start3A_57] : memref<10112x64xf32, #tpu.memory_space<vmem_shared>> -> memref<10112x64xf32, #tpu.memory_space<vmem_shared>>
    tpu.enqueue_indirect_dma source(%arg9 : memref<125x64xf32, #tpu.memory_space<vmem>>) target(%dma_start3A_58 : memref<10112x64xf32, #tpu.memory_space<vmem_shared>>) offsets(%dma_start3A_55 : memref<125xi32, #tpu.memory_space<vmem>>) semaphore(%arg15 : memref<!tpu.dma_semaphore, #tpu.memory_space<semaphore_mem>>) {add = true}
    %dma_wait3A_59 = arith.constant 78 : i32
    %dma_wait3A_60 = arith.constant 0 : i32
    %dma_wait3A_61 = tpu.memref_slice %arg7[%dma_wait3A_59, %dma_wait3A_60] : memref<80x125xi32, #tpu.memory_space<vmem>> -> memref<1x125xi32, #tpu.memory_space<vmem>>
    %dma_wait3A_62 = tpu.memref_squeeze %dma_wait3A_61 : memref<1x125xi32, #tpu.memory_space<vmem>> -> memref<125xi32, #tpu.memory_space<vmem>>
    %dma_wait3A_63 = arith.constant 0 : i32
    %dma_wait3A_64 = arith.constant 0 : i32
    %dma_wait3A_65 = tpu.memref_slice %arg10[%dma_wait3A_63, %dma_wait3A_64] : memref<10112x64xf32, #tpu.memory_space<vmem_shared>> -> memref<10112x64xf32, #tpu.memory_space<vmem_shared>>
    tpu.wait_indirect_dma semaphore(%arg14 : memref<!tpu.dma_semaphore, #tpu.memory_space<semaphore_mem>>) src(%arg8 : memref<125x64xf32, #tpu.memory_space<vmem>>) dst(%dma_wait3A_65 : memref<10112x64xf32, #tpu.memory_space<vmem_shared>>)
    %dma_wait3A_66 = arith.constant 79 : i32
    %dma_wait3A_67 = arith.constant 0 : i32
    %dma_wait3A_68 = tpu.memref_slice %arg7[%dma_wait3A_66, %dma_wait3A_67] : memref<80x125xi32, #tpu.memory_space<vmem>> -> memref<1x125xi32, #tpu.memory_space<vmem>>
    %dma_wait3A_69 = tpu.memref_squeeze %dma_wait3A_68 : memref<1x125xi32, #tpu.memory_space<vmem>> -> memref<125xi32, #tpu.memory_space<vmem>>
    %dma_wait3A_70 = arith.constant 0 : i32
    %dma_wait3A_71 = arith.constant 0 : i32
    %dma_wait3A_72 = tpu.memref_slice %arg10[%dma_wait3A_70, %dma_wait3A_71] : memref<10112x64xf32, #tpu.memory_space<vmem_shared>> -> memref<10112x64xf32, #tpu.memory_space<vmem_shared>>
    tpu.wait_indirect_dma semaphore(%arg15 : memref<!tpu.dma_semaphore, #tpu.memory_space<semaphore_mem>>) src(%arg9 : memref<125x64xf32, #tpu.memory_space<vmem>>) dst(%dma_wait3A_72 : memref<10112x64xf32, #tpu.memory_space<vmem_shared>>)
    %barrier3A_73 = arith.constant 0 : index
    tpu.barrier barrier_id(%barrier3A_73)
    %mul3A_74 = arith.constant 632 : i32
    %mul3A_75 = arith.muli %arg1, %mul3A_74 : i32
    %mul3A_76 = arith.constant 632 : i32
    %mul3A_77 = arith.muli %arg1, %mul3A_76 : i32
    %mul3A_78 = arith.constant 64 : i32
    %mul3A_79 = arith.muli %arg0, %mul3A_78 : i32
    "tpu.region"() ({
      %run_scoped3A_80 = tpu.sem_alloc : memref<!tpu.dma_semaphore, #tpu.memory_space<semaphore_mem>>
      %dma_start3A_81 = tpu.memref_slice %arg5[%mul3A_77, %mul3A_79] : memref<10112x128xf32, #tpu.memory_space<hbm>> -> memref<632x64xf32, #tpu.memory_space<hbm>>
      %dma_start3A_82 = arith.constant 0 : i32
      %dma_start3A_83 = tpu.memref_slice %arg10[%mul3A_75, %dma_start3A_82] : memref<10112x64xf32, #tpu.memory_space<vmem_shared>> -> memref<632x64xf32, #tpu.memory_space<vmem_shared>>
      tpu.enqueue_dma source(%dma_start3A_83 : memref<632x64xf32, #tpu.memory_space<vmem_shared>>) target(%dma_start3A_81 : memref<632x64xf32, #tpu.memory_space<hbm>>) target_semaphore(%run_scoped3A_80 : memref<!tpu.dma_semaphore, #tpu.memory_space<semaphore_mem>>)
      %dma_wait3A_84 = tpu.memref_slice %arg5[%mul3A_77, %mul3A_79] : memref<10112x128xf32, #tpu.memory_space<hbm>> -> memref<632x64xf32, #tpu.memory_space<hbm>>
      %dma_wait3A_85 = arith.constant 0 : i32
      %dma_wait3A_86 = tpu.memref_slice %arg10[%mul3A_75, %dma_wait3A_85] : memref<10112x64xf32, #tpu.memory_space<vmem_shared>> -> memref<632x64xf32, #tpu.memory_space<vmem_shared>>
      tpu.wait_dma2 semaphore(%run_scoped3A_80 : memref<!tpu.dma_semaphore, #tpu.memory_space<semaphore_mem>>) src(%dma_wait3A_86 : memref<632x64xf32, #tpu.memory_space<vmem_shared>>) dst(%dma_wait3A_84 : memref<632x64xf32, #tpu.memory_space<hbm>>)
      tpu.yield
    }) : () -> ()
    return
  }
}

#map = affine_map<(d0, d1) -> (0, 0, 0)>
#map1 = affine_map<(d0, d1) -> (0, 0)>
module attributes {stable_mosaic.version = 14 : i64} {
  func.func @deg_kernel(%arg0: i32, %arg1: i32, %arg2: memref<2x2560x125xi32, #tpu.memory_space<hbm>>, %arg3: memref<125x16xf32, #tpu.memory_space<hbm>>, %arg4: memref<10112x16xf32, #tpu.memory_space<hbm>>, %arg5: memref<10112x128xf32, #tpu.memory_space<hbm>>, %arg6: memref<80x125xi32, #tpu.memory_space<vmem>>, %arg7: memref<125x16xf32, #tpu.memory_space<vmem>>, %arg8: memref<10112x16xf32, #tpu.memory_space<vmem_shared>>, %arg9: memref<!tpu.dma_semaphore, #tpu.memory_space<semaphore_mem>>, %arg10: memref<!tpu.dma_semaphore, #tpu.memory_space<semaphore_mem>>) attributes {dimension_semantics = [#tpu.dimension_semantics<core_parallel>, #tpu.dimension_semantics<subcore_parallel>], iteration_bounds = array<i64: 2, 16>, scalar_prefetch = 0 : i64, scratch_operands = 5 : i64, tpu.core_type = #tpu.core_type<sc_vector_subcore>, window_params = [{transform_indices = #map}, {transform_indices = #map1}, {transform_indices = #map1}, {transform_indices = #map1}]} {
    %mul3A = arith.constant 16 : i32
    %mul3A_0 = arith.muli %arg0, %mul3A : i32
    %add3A = arith.addi %mul3A_0, %arg1 : i32
    %mul3A_1 = arith.constant 80 : i32
    %mul3A_2 = arith.muli %add3A, %mul3A_1 : i32
    %run_scoped3A = arith.constant 1 : i32
    "tpu.region"() ({
      %run_scoped3A_45 = tpu.sem_alloc : memref<!tpu.dma_semaphore, #tpu.memory_space<semaphore_mem>>
      %dma_start3A_46 = arith.constant 0 : i32
      %dma_start3A_47 = tpu.memref_slice %arg2[%run_scoped3A, %mul3A_2, %dma_start3A_46] : memref<2x2560x125xi32, #tpu.memory_space<hbm>> -> memref<1x80x125xi32, #tpu.memory_space<hbm>>
      %dma_start3A_48 = tpu.memref_squeeze %dma_start3A_47 : memref<1x80x125xi32, #tpu.memory_space<hbm>> -> memref<80x125xi32, #tpu.memory_space<hbm>>
      %dma_start3A_49 = arith.constant 0 : i32
      %dma_start3A_50 = tpu.memref_slice %arg2[%run_scoped3A, %mul3A_2, %dma_start3A_49] : memref<2x2560x125xi32, #tpu.memory_space<hbm>> -> memref<1x80x125xi32, #tpu.memory_space<hbm>>
      %dma_start3A_51 = tpu.memref_squeeze %dma_start3A_50 : memref<1x80x125xi32, #tpu.memory_space<hbm>> -> memref<80x125xi32, #tpu.memory_space<hbm>>
      tpu.enqueue_dma source(%dma_start3A_51 : memref<80x125xi32, #tpu.memory_space<hbm>>) target(%arg6 : memref<80x125xi32, #tpu.memory_space<vmem>>) target_semaphore(%run_scoped3A_45 : memref<!tpu.dma_semaphore, #tpu.memory_space<semaphore_mem>>)
      %dma_wait3A_52 = arith.constant 0 : i32
      %dma_wait3A_53 = tpu.memref_slice %arg2[%run_scoped3A, %mul3A_2, %dma_wait3A_52] : memref<2x2560x125xi32, #tpu.memory_space<hbm>> -> memref<1x80x125xi32, #tpu.memory_space<hbm>>
      %dma_wait3A_54 = tpu.memref_squeeze %dma_wait3A_53 : memref<1x80x125xi32, #tpu.memory_space<hbm>> -> memref<80x125xi32, #tpu.memory_space<hbm>>
      %dma_wait3A_55 = arith.constant 0 : i32
      %dma_wait3A_56 = tpu.memref_slice %arg2[%run_scoped3A, %mul3A_2, %dma_wait3A_55] : memref<2x2560x125xi32, #tpu.memory_space<hbm>> -> memref<1x80x125xi32, #tpu.memory_space<hbm>>
      %dma_wait3A_57 = tpu.memref_squeeze %dma_wait3A_56 : memref<1x80x125xi32, #tpu.memory_space<hbm>> -> memref<80x125xi32, #tpu.memory_space<hbm>>
      tpu.wait_dma2 semaphore(%run_scoped3A_45 : memref<!tpu.dma_semaphore, #tpu.memory_space<semaphore_mem>>) src(%dma_wait3A_57 : memref<80x125xi32, #tpu.memory_space<hbm>>) dst(%arg6 : memref<80x125xi32, #tpu.memory_space<vmem>>)
      tpu.yield
    }) : () -> ()
    "tpu.region"() ({
      %run_scoped3A_45 = tpu.sem_alloc : memref<!tpu.dma_semaphore, #tpu.memory_space<semaphore_mem>>
      tpu.enqueue_dma source(%arg3 : memref<125x16xf32, #tpu.memory_space<hbm>>) target(%arg7 : memref<125x16xf32, #tpu.memory_space<vmem>>) target_semaphore(%run_scoped3A_45 : memref<!tpu.dma_semaphore, #tpu.memory_space<semaphore_mem>>)
      tpu.wait_dma2 semaphore(%run_scoped3A_45 : memref<!tpu.dma_semaphore, #tpu.memory_space<semaphore_mem>>) src(%arg3 : memref<125x16xf32, #tpu.memory_space<hbm>>) dst(%arg7 : memref<125x16xf32, #tpu.memory_space<vmem>>)
      tpu.yield
    }) : () -> ()
    %mul3A_3 = arith.constant 632 : i32
    %mul3A_4 = arith.muli %arg1, %mul3A_3 : i32
    %mul3A_5 = arith.constant 632 : i32
    %mul3A_6 = arith.muli %arg1, %mul3A_5 : i32
    "tpu.region"() ({
      %run_scoped3A_45 = tpu.sem_alloc : memref<!tpu.dma_semaphore, #tpu.memory_space<semaphore_mem>>
      %dma_start3A_46 = arith.constant 0 : i32
      %dma_start3A_47 = tpu.memref_slice %arg8[%mul3A_6, %dma_start3A_46] : memref<10112x16xf32, #tpu.memory_space<vmem_shared>> -> memref<632x16xf32, #tpu.memory_space<vmem_shared>>
      %dma_start3A_48 = arith.constant 0 : i32
      %dma_start3A_49 = tpu.memref_slice %arg4[%mul3A_4, %dma_start3A_48] : memref<10112x16xf32, #tpu.memory_space<hbm>> -> memref<632x16xf32, #tpu.memory_space<hbm>>
      tpu.enqueue_dma source(%dma_start3A_49 : memref<632x16xf32, #tpu.memory_space<hbm>>) target(%dma_start3A_47 : memref<632x16xf32, #tpu.memory_space<vmem_shared>>) target_semaphore(%run_scoped3A_45 : memref<!tpu.dma_semaphore, #tpu.memory_space<semaphore_mem>>)
      %dma_wait3A_50 = arith.constant 0 : i32
      %dma_wait3A_51 = tpu.memref_slice %arg8[%mul3A_6, %dma_wait3A_50] : memref<10112x16xf32, #tpu.memory_space<vmem_shared>> -> memref<632x16xf32, #tpu.memory_space<vmem_shared>>
      %dma_wait3A_52 = arith.constant 0 : i32
      %dma_wait3A_53 = tpu.memref_slice %arg4[%mul3A_4, %dma_wait3A_52] : memref<10112x16xf32, #tpu.memory_space<hbm>> -> memref<632x16xf32, #tpu.memory_space<hbm>>
      tpu.wait_dma2 semaphore(%run_scoped3A_45 : memref<!tpu.dma_semaphore, #tpu.memory_space<semaphore_mem>>) src(%dma_wait3A_53 : memref<632x16xf32, #tpu.memory_space<hbm>>) dst(%dma_wait3A_51 : memref<632x16xf32, #tpu.memory_space<vmem_shared>>)
      tpu.yield
    }) : () -> ()
    %barrier3A = arith.constant 0 : index
    tpu.barrier barrier_id(%barrier3A)
    %dma_start3A = arith.constant 0 : i32
    %dma_start3A_7 = arith.constant 0 : i32
    %dma_start3A_8 = tpu.memref_slice %arg6[%dma_start3A, %dma_start3A_7] : memref<80x125xi32, #tpu.memory_space<vmem>> -> memref<1x125xi32, #tpu.memory_space<vmem>>
    %dma_start3A_9 = tpu.memref_squeeze %dma_start3A_8 : memref<1x125xi32, #tpu.memory_space<vmem>> -> memref<125xi32, #tpu.memory_space<vmem>>
    %dma_start3A_10 = arith.constant 0 : i32
    %dma_start3A_11 = arith.constant 0 : i32
    %dma_start3A_12 = tpu.memref_slice %arg8[%dma_start3A_10, %dma_start3A_11] : memref<10112x16xf32, #tpu.memory_space<vmem_shared>> -> memref<10112x16xf32, #tpu.memory_space<vmem_shared>>
    tpu.enqueue_indirect_dma source(%arg7 : memref<125x16xf32, #tpu.memory_space<vmem>>) target(%dma_start3A_12 : memref<10112x16xf32, #tpu.memory_space<vmem_shared>>) offsets(%dma_start3A_9 : memref<125xi32, #tpu.memory_space<vmem>>) semaphore(%arg9 : memref<!tpu.dma_semaphore, #tpu.memory_space<semaphore_mem>>) {add = true}
    %dma_start3A_13 = arith.constant 1 : i32
    %dma_start3A_14 = arith.constant 0 : i32
    %dma_start3A_15 = tpu.memref_slice %arg6[%dma_start3A_13, %dma_start3A_14] : memref<80x125xi32, #tpu.memory_space<vmem>> -> memref<1x125xi32, #tpu.memory_space<vmem>>
    %dma_start3A_16 = tpu.memref_squeeze %dma_start3A_15 : memref<1x125xi32, #tpu.memory_space<vmem>> -> memref<125xi32, #tpu.memory_space<vmem>>
    %dma_start3A_17 = arith.constant 0 : i32
    %dma_start3A_18 = arith.constant 0 : i32
    %dma_start3A_19 = tpu.memref_slice %arg8[%dma_start3A_17, %dma_start3A_18] : memref<10112x16xf32, #tpu.memory_space<vmem_shared>> -> memref<10112x16xf32, #tpu.memory_space<vmem_shared>>
    tpu.enqueue_indirect_dma source(%arg7 : memref<125x16xf32, #tpu.memory_space<vmem>>) target(%dma_start3A_19 : memref<10112x16xf32, #tpu.memory_space<vmem_shared>>) offsets(%dma_start3A_16 : memref<125xi32, #tpu.memory_space<vmem>>) semaphore(%arg10 : memref<!tpu.dma_semaphore, #tpu.memory_space<semaphore_mem>>) {add = true}
    %scan3A = arith.constant 0 : i32
    %scan3A_20 = arith.constant 0 : i32
    %scan3A_21 = arith.constant 39 : i32
    %scan3A_22 = arith.addi %scan3A_20, %scan3A_21 : i32
    %scan3A_23 = arith.constant 1 : i32
    scf.for %scan3A_45 = %scan3A_20 to %scan3A_22 step %scan3A_23  : i32 {
      %mul3A_46 = arith.constant 2 : i32
      %mul3A_47 = arith.muli %mul3A_46, %scan3A_45 : i32
      %dma_wait3A_48 = arith.constant 0 : i32
      %dma_wait3A_49 = tpu.memref_slice %arg6[%mul3A_47, %dma_wait3A_48] : memref<80x125xi32, #tpu.memory_space<vmem>> -> memref<1x125xi32, #tpu.memory_space<vmem>>
      %dma_wait3A_50 = tpu.memref_squeeze %dma_wait3A_49 : memref<1x125xi32, #tpu.memory_space<vmem>> -> memref<125xi32, #tpu.memory_space<vmem>>
      %dma_wait3A_51 = arith.constant 0 : i32
      %dma_wait3A_52 = arith.constant 0 : i32
      %dma_wait3A_53 = tpu.memref_slice %arg8[%dma_wait3A_51, %dma_wait3A_52] : memref<10112x16xf32, #tpu.memory_space<vmem_shared>> -> memref<10112x16xf32, #tpu.memory_space<vmem_shared>>
      tpu.wait_indirect_dma semaphore(%arg9 : memref<!tpu.dma_semaphore, #tpu.memory_space<semaphore_mem>>) src(%arg7 : memref<125x16xf32, #tpu.memory_space<vmem>>) dst(%dma_wait3A_53 : memref<10112x16xf32, #tpu.memory_space<vmem_shared>>)
      %add3A_54 = arith.constant 2 : i32
      %add3A_55 = arith.addi %mul3A_47, %add3A_54 : i32
      %dma_start3A_56 = arith.constant 0 : i32
      %dma_start3A_57 = tpu.memref_slice %arg6[%add3A_55, %dma_start3A_56] : memref<80x125xi32, #tpu.memory_space<vmem>> -> memref<1x125xi32, #tpu.memory_space<vmem>>
      %dma_start3A_58 = tpu.memref_squeeze %dma_start3A_57 : memref<1x125xi32, #tpu.memory_space<vmem>> -> memref<125xi32, #tpu.memory_space<vmem>>
      %dma_start3A_59 = arith.constant 0 : i32
      %dma_start3A_60 = arith.constant 0 : i32
      %dma_start3A_61 = tpu.memref_slice %arg8[%dma_start3A_59, %dma_start3A_60] : memref<10112x16xf32, #tpu.memory_space<vmem_shared>> -> memref<10112x16xf32, #tpu.memory_space<vmem_shared>>
      tpu.enqueue_indirect_dma source(%arg7 : memref<125x16xf32, #tpu.memory_space<vmem>>) target(%dma_start3A_61 : memref<10112x16xf32, #tpu.memory_space<vmem_shared>>) offsets(%dma_start3A_58 : memref<125xi32, #tpu.memory_space<vmem>>) semaphore(%arg9 : memref<!tpu.dma_semaphore, #tpu.memory_space<semaphore_mem>>) {add = true}
      %add3A_62 = arith.constant 1 : i32
      %add3A_63 = arith.addi %mul3A_47, %add3A_62 : i32
      %dma_wait3A_64 = arith.constant 0 : i32
      %dma_wait3A_65 = tpu.memref_slice %arg6[%add3A_63, %dma_wait3A_64] : memref<80x125xi32, #tpu.memory_space<vmem>> -> memref<1x125xi32, #tpu.memory_space<vmem>>
      %dma_wait3A_66 = tpu.memref_squeeze %dma_wait3A_65 : memref<1x125xi32, #tpu.memory_space<vmem>> -> memref<125xi32, #tpu.memory_space<vmem>>
      %dma_wait3A_67 = arith.constant 0 : i32
      %dma_wait3A_68 = arith.constant 0 : i32
      %dma_wait3A_69 = tpu.memref_slice %arg8[%dma_wait3A_67, %dma_wait3A_68] : memref<10112x16xf32, #tpu.memory_space<vmem_shared>> -> memref<10112x16xf32, #tpu.memory_space<vmem_shared>>
      tpu.wait_indirect_dma semaphore(%arg10 : memref<!tpu.dma_semaphore, #tpu.memory_space<semaphore_mem>>) src(%arg7 : memref<125x16xf32, #tpu.memory_space<vmem>>) dst(%dma_wait3A_69 : memref<10112x16xf32, #tpu.memory_space<vmem_shared>>)
      %add3A_70 = arith.constant 3 : i32
      %add3A_71 = arith.addi %mul3A_47, %add3A_70 : i32
      %dma_start3A_72 = arith.constant 0 : i32
      %dma_start3A_73 = tpu.memref_slice %arg6[%add3A_71, %dma_start3A_72] : memref<80x125xi32, #tpu.memory_space<vmem>> -> memref<1x125xi32, #tpu.memory_space<vmem>>
      %dma_start3A_74 = tpu.memref_squeeze %dma_start3A_73 : memref<1x125xi32, #tpu.memory_space<vmem>> -> memref<125xi32, #tpu.memory_space<vmem>>
      %dma_start3A_75 = arith.constant 0 : i32
      %dma_start3A_76 = arith.constant 0 : i32
      %dma_start3A_77 = tpu.memref_slice %arg8[%dma_start3A_75, %dma_start3A_76] : memref<10112x16xf32, #tpu.memory_space<vmem_shared>> -> memref<10112x16xf32, #tpu.memory_space<vmem_shared>>
      tpu.enqueue_indirect_dma source(%arg7 : memref<125x16xf32, #tpu.memory_space<vmem>>) target(%dma_start3A_77 : memref<10112x16xf32, #tpu.memory_space<vmem_shared>>) offsets(%dma_start3A_74 : memref<125xi32, #tpu.memory_space<vmem>>) semaphore(%arg10 : memref<!tpu.dma_semaphore, #tpu.memory_space<semaphore_mem>>) {add = true}
    }
    %scan3A_24 = arith.constant 39 : i32
    %dma_wait3A = arith.constant 78 : i32
    %dma_wait3A_25 = arith.constant 0 : i32
    %dma_wait3A_26 = tpu.memref_slice %arg6[%dma_wait3A, %dma_wait3A_25] : memref<80x125xi32, #tpu.memory_space<vmem>> -> memref<1x125xi32, #tpu.memory_space<vmem>>
    %dma_wait3A_27 = tpu.memref_squeeze %dma_wait3A_26 : memref<1x125xi32, #tpu.memory_space<vmem>> -> memref<125xi32, #tpu.memory_space<vmem>>
    %dma_wait3A_28 = arith.constant 0 : i32
    %dma_wait3A_29 = arith.constant 0 : i32
    %dma_wait3A_30 = tpu.memref_slice %arg8[%dma_wait3A_28, %dma_wait3A_29] : memref<10112x16xf32, #tpu.memory_space<vmem_shared>> -> memref<10112x16xf32, #tpu.memory_space<vmem_shared>>
    tpu.wait_indirect_dma semaphore(%arg9 : memref<!tpu.dma_semaphore, #tpu.memory_space<semaphore_mem>>) src(%arg7 : memref<125x16xf32, #tpu.memory_space<vmem>>) dst(%dma_wait3A_30 : memref<10112x16xf32, #tpu.memory_space<vmem_shared>>)
    %dma_wait3A_31 = arith.constant 79 : i32
    %dma_wait3A_32 = arith.constant 0 : i32
    %dma_wait3A_33 = tpu.memref_slice %arg6[%dma_wait3A_31, %dma_wait3A_32] : memref<80x125xi32, #tpu.memory_space<vmem>> -> memref<1x125xi32, #tpu.memory_space<vmem>>
    %dma_wait3A_34 = tpu.memref_squeeze %dma_wait3A_33 : memref<1x125xi32, #tpu.memory_space<vmem>> -> memref<125xi32, #tpu.memory_space<vmem>>
    %dma_wait3A_35 = arith.constant 0 : i32
    %dma_wait3A_36 = arith.constant 0 : i32
    %dma_wait3A_37 = tpu.memref_slice %arg8[%dma_wait3A_35, %dma_wait3A_36] : memref<10112x16xf32, #tpu.memory_space<vmem_shared>> -> memref<10112x16xf32, #tpu.memory_space<vmem_shared>>
    tpu.wait_indirect_dma semaphore(%arg10 : memref<!tpu.dma_semaphore, #tpu.memory_space<semaphore_mem>>) src(%arg7 : memref<125x16xf32, #tpu.memory_space<vmem>>) dst(%dma_wait3A_37 : memref<10112x16xf32, #tpu.memory_space<vmem_shared>>)
    %barrier3A_38 = arith.constant 0 : index
    tpu.barrier barrier_id(%barrier3A_38)
    %mul3A_39 = arith.constant 632 : i32
    %mul3A_40 = arith.muli %arg1, %mul3A_39 : i32
    %mul3A_41 = arith.constant 632 : i32
    %mul3A_42 = arith.muli %arg1, %mul3A_41 : i32
    %mul3A_43 = arith.constant 16 : i32
    %mul3A_44 = arith.muli %arg0, %mul3A_43 : i32
    "tpu.region"() ({
      %run_scoped3A_45 = tpu.sem_alloc : memref<!tpu.dma_semaphore, #tpu.memory_space<semaphore_mem>>
      %dma_start3A_46 = tpu.memref_slice %arg5[%mul3A_42, %mul3A_44] : memref<10112x128xf32, #tpu.memory_space<hbm>> -> memref<632x16xf32, #tpu.memory_space<hbm>>
      %dma_start3A_47 = arith.constant 0 : i32
      %dma_start3A_48 = tpu.memref_slice %arg8[%mul3A_40, %dma_start3A_47] : memref<10112x16xf32, #tpu.memory_space<vmem_shared>> -> memref<632x16xf32, #tpu.memory_space<vmem_shared>>
      tpu.enqueue_dma source(%dma_start3A_48 : memref<632x16xf32, #tpu.memory_space<vmem_shared>>) target(%dma_start3A_46 : memref<632x16xf32, #tpu.memory_space<hbm>>) target_semaphore(%run_scoped3A_45 : memref<!tpu.dma_semaphore, #tpu.memory_space<semaphore_mem>>)
      %dma_wait3A_49 = tpu.memref_slice %arg5[%mul3A_42, %mul3A_44] : memref<10112x128xf32, #tpu.memory_space<hbm>> -> memref<632x16xf32, #tpu.memory_space<hbm>>
      %dma_wait3A_50 = arith.constant 0 : i32
      %dma_wait3A_51 = tpu.memref_slice %arg8[%mul3A_40, %dma_wait3A_50] : memref<10112x16xf32, #tpu.memory_space<vmem_shared>> -> memref<632x16xf32, #tpu.memory_space<vmem_shared>>
      tpu.wait_dma2 semaphore(%run_scoped3A_45 : memref<!tpu.dma_semaphore, #tpu.memory_space<semaphore_mem>>) src(%dma_wait3A_51 : memref<632x16xf32, #tpu.memory_space<vmem_shared>>) dst(%dma_wait3A_49 : memref<632x16xf32, #tpu.memory_space<hbm>>)
      tpu.yield
    }) : () -> ()
    return
  }
}

module attributes {stable_mosaic.version = 14 : i64} {
  func.func @_mm_body(%arg0: i32, %arg1: memref<1000x128xf32, #tpu.memory_space<vmem>>, %arg2: memref<128x64xf32, #tpu.memory_space<vmem>>, %arg3: memref<1000x64xf32, #tpu.memory_space<vmem>>) attributes {dimension_semantics = [#tpu.dimension_semantics<arbitrary>], iteration_bounds = array<i64: 10>, scalar_prefetch = 0 : i64, scratch_operands = 0 : i64, tpu.core_type = #tpu.core_type<tc>, window_params = [{transform_indices = @transform_0, window_bounds = array<i64: 1000, 128>}, {pipeline_mode = #tpu.pipeline_mode<synchronous>, transform_indices = @transform_1, window_bounds = array<i64: 128, 64>}, {transform_indices = @transform_2, window_bounds = array<i64: 1000, 64>}]} {
    %get3A = arith.constant 0 : index
    %get3A_0 = arith.constant 0 : index
    %get3A_1 = vector.load %arg1[%get3A, %get3A_0] : memref<1000x128xf32, #tpu.memory_space<vmem>>, vector<1000x128xf32>
    %get3A_2 = arith.constant 0 : index
    %get3A_3 = arith.constant 0 : index
    %get3A_4 = vector.load %arg2[%get3A_2, %get3A_3] : memref<128x64xf32, #tpu.memory_space<vmem>>, vector<128x64xf32>
    %dot_general3A = arith.constant dense<0.000000e+00> : vector<1000x64xf32>
    %dot_general3A_5 = tpu.matmul %get3A_1, %get3A_4, %dot_general3A {dimension_numbers = #tpu.dot_dimension_numbers<[1], [0], [0], [1], [0, 0, 1, 1], [], []>, transpose_lhs_hint = false} : vector<1000x128xf32>, vector<128x64xf32>, vector<1000x64xf32> -> vector<1000x64xf32>
    %swap3A = arith.constant 0 : index
    %swap3A_6 = arith.constant 0 : index
    %swap3A_7 = vector.load %arg3[%swap3A, %swap3A_6] : memref<1000x64xf32, #tpu.memory_space<vmem>>, vector<1000x64xf32>
    tpu.vector_store %arg3[%swap3A, %swap3A_6], %dot_general3A_5 {strides = array<i32>} : memref<1000x64xf32, #tpu.memory_space<vmem>>, vector<1000x64xf32>,
    return
  }
  func.func @transform_0(%arg0: i32) -> (i32, i32) {
    %c0_i32 = arith.constant 0 : i32
    %c0_i32_0 = arith.constant 0 : i32
    return %arg0, %c0_i32 : i32, i32
  }
  func.func @transform_1(%arg0: i32) -> (i32, i32) {
    %c0_i32 = arith.constant 0 : i32
    %c0_i32_0 = arith.constant 0 : i32
    %c0_i32_1 = arith.constant 0 : i32
    return %c0_i32, %c0_i32_0 : i32, i32
  }
  func.func @transform_2(%arg0: i32) -> (i32, i32) {
    %c0_i32 = arith.constant 0 : i32
    %c0_i32_0 = arith.constant 0 : i32
    return %arg0, %c0_i32 : i32, i32
  }
}

module attributes {stable_mosaic.version = 14 : i64} {
  func.func @_scale_body(%arg0: i32, %arg1: memref<1000x64xf32, #tpu.memory_space<vmem>>, %arg2: memref<1000x128xf32, #tpu.memory_space<vmem>>, %arg3: memref<1000x128xf32, #tpu.memory_space<vmem>>, %arg4: memref<1000x1xf32, #tpu.memory_space<vmem>>) attributes {dimension_semantics = [#tpu.dimension_semantics<arbitrary>], iteration_bounds = array<i64: 10>, scalar_prefetch = 0 : i64, scratch_operands = 0 : i64, tpu.core_type = #tpu.core_type<tc>, window_params = [{transform_indices = @transform_0, window_bounds = array<i64: 1000, 64>}, {transform_indices = @transform_1, window_bounds = array<i64: 1000, 128>}, {transform_indices = @transform_2, window_bounds = array<i64: 1000, 128>}, {transform_indices = @transform_3, window_bounds = array<i64: 1000, 1>}]} {
    %get3A = arith.constant 0 : index
    %get3A_0 = arith.constant 0 : index
    %get3A_1 = vector.load %arg2[%get3A, %get3A_0] : memref<1000x128xf32, #tpu.memory_space<vmem>>, vector<1000x128xf32>
    %slice3A = vector.extract_strided_slice %get3A_1 {offsets = [0, 0], sizes = [1000, 1], strides = [1, 1]} : vector<1000x128xf32> to vector<1000x1xf32>
    %slice3A_2 = vector.extract_strided_slice %get3A_1 {offsets = [0, 16], sizes = [1000, 1], strides = [1, 1]} : vector<1000x128xf32> to vector<1000x1xf32>
    %add3A = arith.addf %slice3A, %slice3A_2 : vector<1000x1xf32>
    %add3A_3 = arith.constant 1.000000e+00 : f32
    %add3A_4 = vector.broadcast %add3A_3 : f32 to vector<1000x1xf32>
    %add3A_5 = arith.addf %add3A, %add3A_4 : vector<1000x1xf32>
    %rsqrt3A = math.rsqrt %add3A_5 : vector<1000x1xf32>
    %swap3A = arith.constant 0 : index
    %swap3A_6 = arith.constant 0 : index
    %swap3A_7 = vector.load %arg4[%swap3A, %swap3A_6] : memref<1000x1xf32, #tpu.memory_space<vmem>>, vector<1000x1xf32>
    tpu.vector_store %arg4[%swap3A, %swap3A_6], %rsqrt3A {strides = array<i32>} : memref<1000x1xf32, #tpu.memory_space<vmem>>, vector<1000x1xf32>,
    %get3A_8 = arith.constant 0 : index
    %get3A_9 = arith.constant 0 : index
    %get3A_10 = vector.load %arg1[%get3A_8, %get3A_9] : memref<1000x64xf32, #tpu.memory_space<vmem>>, vector<1000x64xf32>
    %mul3A = vector.broadcast %rsqrt3A : vector<1000x1xf32> to vector<1000x64xf32>
    %mul3A_11 = arith.mulf %mul3A, %get3A_10 : vector<1000x64xf32>
    %broadcast_in_dim3A = arith.constant 0.000000e+00 : f32
    %broadcast_in_dim3A_12 = vector.broadcast %broadcast_in_dim3A : f32 to vector<1000x64xf32>
    %concatenate3A = tpu.concatenate %mul3A_11, %broadcast_in_dim3A_12 in 1 : vector<1000x64xf32>, vector<1000x64xf32> -> vector<1000x128xf32>
    %swap3A_13 = arith.constant 0 : index
    %swap3A_14 = arith.constant 0 : index
    %swap3A_15 = vector.load %arg3[%swap3A_13, %swap3A_14] : memref<1000x128xf32, #tpu.memory_space<vmem>>, vector<1000x128xf32>
    tpu.vector_store %arg3[%swap3A_13, %swap3A_14], %concatenate3A {strides = array<i32>} : memref<1000x128xf32, #tpu.memory_space<vmem>>, vector<1000x128xf32>,
    return
  }
  func.func @transform_0(%arg0: i32) -> (i32, i32) {
    %c0_i32 = arith.constant 0 : i32
    %c0_i32_0 = arith.constant 0 : i32
    return %arg0, %c0_i32 : i32, i32
  }
  func.func @transform_1(%arg0: i32) -> (i32, i32) {
    %c0_i32 = arith.constant 0 : i32
    %c0_i32_0 = arith.constant 0 : i32
    return %arg0, %c0_i32 : i32, i32
  }
  func.func @transform_2(%arg0: i32) -> (i32, i32) {
    %c0_i32 = arith.constant 0 : i32
    %c0_i32_0 = arith.constant 0 : i32
    return %arg0, %c0_i32 : i32, i32
  }
  func.func @transform_3(%arg0: i32) -> (i32, i32) {
    %c0_i32 = arith.constant 0 : i32
    %c0_i32_0 = arith.constant 0 : i32
    return %arg0, %c0_i32 : i32, i32
  }
}

module attributes {stable_mosaic.version = 14 : i64} {
  func.func @_tc_b_body(%arg0: i32, %arg1: memref<1000x128xf32, #tpu.memory_space<vmem>>, %arg2: memref<1000x64xf32, #tpu.memory_space<vmem>>, %arg3: memref<1000x1xf32, #tpu.memory_space<vmem>>, %arg4: memref<64x32xf32, #tpu.memory_space<vmem>>, %arg5: memref<1x64xf32, #tpu.memory_space<vmem>>, %arg6: memref<1000x128xf32, #tpu.memory_space<vmem>>) attributes {dimension_semantics = [#tpu.dimension_semantics<arbitrary>], iteration_bounds = array<i64: 10>, scalar_prefetch = 0 : i64, scratch_operands = 0 : i64, tpu.core_type = #tpu.core_type<tc>, window_params = [{transform_indices = @transform_0, window_bounds = array<i64: 1000, 128>}, {transform_indices = @transform_1, window_bounds = array<i64: 1000, 64>}, {transform_indices = @transform_2, window_bounds = array<i64: 1000, 1>}, {pipeline_mode = #tpu.pipeline_mode<synchronous>, transform_indices = @transform_3, window_bounds = array<i64: 64, 32>}, {pipeline_mode = #tpu.pipeline_mode<synchronous>, transform_indices = @transform_4, window_bounds = array<i64: 1, 64>}, {transform_indices = @transform_5, window_bounds = array<i64: 1000, 128>}]} {
    %get3A = arith.constant 0 : index
    %get3A_0 = arith.constant 0 : index
    %get3A_1 = vector.load %arg3[%get3A, %get3A_0] : memref<1000x1xf32, #tpu.memory_space<vmem>>, vector<1000x1xf32>
    %get3A_2 = arith.constant 0 : index
    %get3A_3 = arith.constant 0 : index
    %get3A_4 = vector.load %arg1[%get3A_2, %get3A_3] : memref<1000x128xf32, #tpu.memory_space<vmem>>, vector<1000x128xf32>
    %slice3A = vector.extract_strided_slice %get3A_4 {offsets = [0, 0], sizes = [1000, 64], strides = [1, 1]} : vector<1000x128xf32> to vector<1000x64xf32>
    %slice3A_5 = vector.extract_strided_slice %get3A_4 {offsets = [0, 64], sizes = [1000, 64], strides = [1, 1]} : vector<1000x128xf32> to vector<1000x64xf32>
    %add3A = arith.addf %slice3A, %slice3A_5 : vector<1000x64xf32>
    %get3A_6 = arith.constant 0 : index
    %get3A_7 = arith.constant 0 : index
    %get3A_8 = vector.load %arg2[%get3A_6, %get3A_7] : memref<1000x64xf32, #tpu.memory_space<vmem>>, vector<1000x64xf32>
    %mul3A = vector.broadcast %get3A_1 : vector<1000x1xf32> to vector<1000x64xf32>
    %mul3A_9 = arith.mulf %mul3A, %get3A_8 : vector<1000x64xf32>
    %add3A_10 = arith.addf %add3A, %mul3A_9 : vector<1000x64xf32>
    %mul3A_11 = vector.broadcast %get3A_1 : vector<1000x1xf32> to vector<1000x64xf32>
    %mul3A_12 = arith.mulf %mul3A_11, %add3A_10 : vector<1000x64xf32>
    %get3A_13 = arith.constant 0 : index
    %get3A_14 = arith.constant 0 : index
    %get3A_15 = vector.load %arg5[%get3A_13, %get3A_14] : memref<1x64xf32, #tpu.memory_space<vmem>>, vector<1x64xf32>
    %add3A_16 = vector.broadcast %get3A_15 : vector<1x64xf32> to vector<1000x64xf32>
    %add3A_17 = arith.addf %mul3A_12, %add3A_16 : vector<1000x64xf32>
    %max3A = arith.constant 0.000000e+00 : f32
    %max3A_18 = vector.broadcast %max3A : f32 to vector<1000x64xf32>
    %max3A_19 = arith.maximumf %add3A_17, %max3A_18 : vector<1000x64xf32>
    %get3A_20 = arith.constant 0 : index
    %get3A_21 = arith.constant 0 : index
    %get3A_22 = vector.load %arg4[%get3A_20, %get3A_21] : memref<64x32xf32, #tpu.memory_space<vmem>>, vector<64x32xf32>
    %dot_general3A = arith.constant dense<0.000000e+00> : vector<1000x32xf32>
    %dot_general3A_23 = tpu.matmul %max3A_19, %get3A_22, %dot_general3A {dimension_numbers = #tpu.dot_dimension_numbers<[1], [0], [0], [1], [0, 0, 1, 1], [], []>, transpose_lhs_hint = false} : vector<1000x64xf32>, vector<64x32xf32>, vector<1000x32xf32> -> vector<1000x32xf32>
    %mul3A_24 = vector.broadcast %get3A_1 : vector<1000x1xf32> to vector<1000x32xf32>
    %mul3A_25 = arith.mulf %mul3A_24, %dot_general3A_23 : vector<1000x32xf32>
    %broadcast_in_dim3A = arith.constant 0.000000e+00 : f32
    %broadcast_in_dim3A_26 = vector.broadcast %broadcast_in_dim3A : f32 to vector<1000x96xf32>
    %concatenate3A = tpu.concatenate %mul3A_25, %broadcast_in_dim3A_26 in 1 : vector<1000x32xf32>, vector<1000x96xf32> -> vector<1000x128xf32>
    %swap3A = arith.constant 0 : index
    %swap3A_27 = arith.constant 0 : index
    %swap3A_28 = vector.load %arg6[%swap3A, %swap3A_27] : memref<1000x128xf32, #tpu.memory_space<vmem>>, vector<1000x128xf32>
    tpu.vector_store %arg6[%swap3A, %swap3A_27], %concatenate3A {strides = array<i32>} : memref<1000x128xf32, #tpu.memory_space<vmem>>, vector<1000x128xf32>,
    return
  }
  func.func @transform_0(%arg0: i32) -> (i32, i32) {
    %c0_i32 = arith.constant 0 : i32
    %c0_i32_0 = arith.constant 0 : i32
    return %arg0, %c0_i32 : i32, i32
  }
  func.func @transform_1(%arg0: i32) -> (i32, i32) {
    %c0_i32 = arith.constant 0 : i32
    %c0_i32_0 = arith.constant 0 : i32
    return %arg0, %c0_i32 : i32, i32
  }
  func.func @transform_2(%arg0: i32) -> (i32, i32) {
    %c0_i32 = arith.constant 0 : i32
    %c0_i32_0 = arith.constant 0 : i32
    return %arg0, %c0_i32 : i32, i32
  }
  func.func @transform_3(%arg0: i32) -> (i32, i32) {
    %c0_i32 = arith.constant 0 : i32
    %c0_i32_0 = arith.constant 0 : i32
    %c0_i32_1 = arith.constant 0 : i32
    return %c0_i32, %c0_i32_0 : i32, i32
  }
  func.func @transform_4(%arg0: i32) -> (i32, i32) {
    %c0_i32 = arith.constant 0 : i32
    %c0_i32_0 = arith.constant 0 : i32
    %c0_i32_1 = arith.constant 0 : i32
    return %c0_i32, %c0_i32_0 : i32, i32
  }
  func.func @transform_5(%arg0: i32) -> (i32, i32) {
    %c0_i32 = arith.constant 0 : i32
    %c0_i32_0 = arith.constant 0 : i32
    return %arg0, %c0_i32 : i32, i32
  }
}

module attributes {stable_mosaic.version = 14 : i64} {
  func.func @_tc_c_body(%arg0: i32, %arg1: memref<1000x128xf32, #tpu.memory_space<vmem>>, %arg2: memref<1000x128xf32, #tpu.memory_space<vmem>>, %arg3: memref<1000x1xf32, #tpu.memory_space<vmem>>, %arg4: memref<1x32xf32, #tpu.memory_space<vmem>>, %arg5: memref<1000x32xf32, #tpu.memory_space<vmem>>) attributes {dimension_semantics = [#tpu.dimension_semantics<arbitrary>], iteration_bounds = array<i64: 10>, scalar_prefetch = 0 : i64, scratch_operands = 0 : i64, tpu.core_type = #tpu.core_type<tc>, window_params = [{transform_indices = @transform_0, window_bounds = array<i64: 1000, 128>}, {transform_indices = @transform_1, window_bounds = array<i64: 1000, 128>}, {transform_indices = @transform_2, window_bounds = array<i64: 1000, 1>}, {pipeline_mode = #tpu.pipeline_mode<synchronous>, transform_indices = @transform_3, window_bounds = array<i64: 1, 32>}, {transform_indices = @transform_4, window_bounds = array<i64: 1000, 32>}]} {
    %get3A = arith.constant 0 : index
    %get3A_0 = arith.constant 0 : index
    %get3A_1 = vector.load %arg1[%get3A, %get3A_0] : memref<1000x128xf32, #tpu.memory_space<vmem>>, vector<1000x128xf32>
    %slice3A = vector.extract_strided_slice %get3A_1 {offsets = [0, 0], sizes = [1000, 32], strides = [1, 1]} : vector<1000x128xf32> to vector<1000x32xf32>
    %slice3A_2 = vector.extract_strided_slice %get3A_1 {offsets = [0, 32], sizes = [1000, 32], strides = [1, 1]} : vector<1000x128xf32> to vector<1000x32xf32>
    %add3A = arith.addf %slice3A, %slice3A_2 : vector<1000x32xf32>
    %get3A_3 = arith.constant 0 : index
    %get3A_4 = arith.constant 0 : index
    %get3A_5 = vector.load %arg3[%get3A_3, %get3A_4] : memref<1000x1xf32, #tpu.memory_space<vmem>>, vector<1000x1xf32>
    %get3A_6 = arith.constant 0 : index
    %get3A_7 = arith.constant 0 : index
    %get3A_8 = vector.load %arg2[%get3A_6, %get3A_7] : memref<1000x128xf32, #tpu.memory_space<vmem>>, vector<1000x32xf32>
    %add3A_9 = arith.addf %add3A, %get3A_8 : vector<1000x32xf32>
    %mul3A = vector.broadcast %get3A_5 : vector<1000x1xf32> to vector<1000x32xf32>
    %mul3A_10 = arith.mulf %mul3A, %add3A_9 : vector<1000x32xf32>
    %get3A_11 = arith.constant 0 : index
    %get3A_12 = arith.constant 0 : index
    %get3A_13 = vector.load %arg4[%get3A_11, %get3A_12] : memref<1x32xf32, #tpu.memory_space<vmem>>, vector<1x32xf32>
    %add3A_14 = vector.broadcast %get3A_13 : vector<1x32xf32> to vector<1000x32xf32>
    %add3A_15 = arith.addf %mul3A_10, %add3A_14 : vector<1000x32xf32>
    %swap3A = arith.constant 0 : index
    %swap3A_16 = arith.constant 0 : index
    %swap3A_17 = vector.load %arg5[%swap3A, %swap3A_16] : memref<1000x32xf32, #tpu.memory_space<vmem>>, vector<1000x32xf32>
    tpu.vector_store %arg5[%swap3A, %swap3A_16], %add3A_15 {strides = array<i32>} : memref<1000x32xf32, #tpu.memory_space<vmem>>, vector<1000x32xf32>,
    return
  }
  func.func @transform_0(%arg0: i32) -> (i32, i32) {
    %c0_i32 = arith.constant 0 : i32
    %c0_i32_0 = arith.constant 0 : i32
    return %arg0, %c0_i32 : i32, i32
  }
  func.func @transform_1(%arg0: i32) -> (i32, i32) {
    %c0_i32 = arith.constant 0 : i32
    %c0_i32_0 = arith.constant 0 : i32
    return %arg0, %c0_i32 : i32, i32
  }
  func.func @transform_2(%arg0: i32) -> (i32, i32) {
    %c0_i32 = arith.constant 0 : i32
    %c0_i32_0 = arith.constant 0 : i32
    return %arg0, %c0_i32 : i32, i32
  }
  func.func @transform_3(%arg0: i32) -> (i32, i32) {
    %c0_i32 = arith.constant 0 : i32
    %c0_i32_0 = arith.constant 0 : i32
    %c0_i32_1 = arith.constant 0 : i32
    return %c0_i32, %c0_i32_0 : i32, i32
  }
  func.func @transform_4(%arg0: i32) -> (i32, i32) {
    %c0_i32 = arith.constant 0 : i32
    %c0_i32_0 = arith.constant 0 : i32
    return %arg0, %c0_i32 : i32, i32
  }
}

</mosaic_0001>

<sc_bundles>
// kernel: kernel.12.cloned.1.call-start
scs
__scs_entry_jumppad:
0x0: {  	(pc) =	sbr.rel $0x88, $3  }
0x1: {  	(tag) =	ssettag $0x0;
	lr =	simm.s32 $0x1  }
0x2: {  	[smem:$0x3F9B] =	sst lr;
	_ =	strace $0xD0000000  }
0x3: {  	_ = 	snop  }
0x4: {  	_ = 	snop  }
0x5: {  	_ = 	snop  }
0x6: {  	_ = 	snop  }
0x7: {  	_ = 	snop  }
__scs_overlays_trampoline_lowered:
0x8: {  	[smem:$0x3FAA] =	sst s0  }
0x9: {  	[smem:$0x3FAB] =	sst s1  }
0xa: {  	[smem:$0x3FAC] =	sst s2  }
0xb: {  	[smem:$0x3FAD] =	sst s3  }
0xc: {  	[smem:$0x3FAE] =	sst s4  }
0xd: {  	[smem:$0x3FAF] =	sst s5  }
0xe: {  	[smem:$0x3FB0] =	sst s6  }
0xf: {  	[smem:$0x3FB1] =	sst s7  }
0x10: {  	[smem:$0x3FB2] =	sst s8  }
0x11: {  	[smem:$0x3FB3] =	sst s9;
	s0 =	simm.s32 @!p0 $0x0  }
0x12: {  	s1 =	sld [smem:$0x3F99];
	s0 =	simm.s32 @p0 $0x1  }
0x13: {  	[smem:$0x3FB4] =	sst s0;
	s0 =	simm.s32 @!p1 $0x0  }
0x14: {  	s2 =	sld [smem:$0x3F98];
	s0 =	simm.s32 @p1 $0x1  }
0x15: {  	[smem:$0x3FB5] =	sst s0;
	s0 =	simm.s32 @!p2 $0x0  }
0x16: {  	s3 =	sld [smem:$0x3FDB];
	s0 =	simm.s32 @p2 $0x1  }
0x17: {  	s4 =	simm.s32 $0x1BF5;
	[smem:$0x3FB7] =	sst s0  }
0x18: {  	s0 =	sld [smem:$0x3F9A];
	_ =	swait.ge [sflag:s4], $0x0  }
0x19: {  	s7 =	sld [smem:$0x3F9B]  }
0x1a: {  	s8 =	sadd.s32 $0xFFFFE003, lr  }
0x1b: {  	s9 =	sadd.s32 $0xFFFFFEF7, lr;
	s5 =	simm.s32 $0xFFFFFFFF;
	p2 =	slt.u32 s8, $0xFFFFF086  }
0x1c: {  	p1 =	slt.u32 s9, $0xF7A;
	s5 =	simm.s32 @!p2 $0x0  }
0x1d: {  	s5 =	simm.s32 @p1 $0x1;
	p0 =	seq.s32 s7, s2  }
0x1e: {  	s7 =	smul.u32 @!p0 $0xF7A, s2;
	p2 =	seq.s32 @!p0 s5, $0x0  }
0x1f: {  	s9 =	smul.u32 $0xF7A, s1;
	s8 =	simm.s32 @!p0 $0x1BF5;
	p2 =	por !p2, p0  }
0x20: {  	[sflag:s8] =	ssyncset.s32 @!p0 $0xFFFFF086;
	s6 =	sadd.s32 @!p0 s3, s7;
	s7 =	simm.s32 @!p0 $0x108  }
0x21: {  	s3 =	sadd.s32 s3, s9;
	s6 =	sadd.s32 @!p0 $0x88, s6;
	s7 =	simm.s32 @p2 $0x1082  }
0x22: {  	[simem:s7], [sflag:s8] =	dma.local @!p0 [hbm:s6], $0xF7A  }
0x23: {  	s9 =	sor.u32 $0xD0000000, s2;
	s6 =	simm.s32 $0x108;
	_ =	swait.ge @!p0 [sflag:s8], $0x0  }
0x24: {  	s3 =	sadd.s32 $0x88, s3;
	s6 =	simm.s32 @!p1 $0x1082;
	[sflag:s4] =	ssyncset.s32 $0xFFFFF086  }
0x25: {  	[simem:s6], [sflag:s4] =	dma.local [hbm:s3], $0xF7A  }
0x26: {  	[smem:$0x3F9B] =	sst s1;
	(tag) =	ssettag s2;
	_ =	strace s9  }
0x27: {  	s1 =	sld [smem:$0x3FAB]  }
0x28: {  	s2 =	sld [smem:$0x3FAC]  }
0x29: {  	s4 =	sld [smem:$0x3FAE]  }
0x2a: {  	p0 =	seq.s32 s5, $0x0;
	s5 =	sld [smem:$0x3FAF]  }
0x2b: {  	s6 =	sld [smem:$0x3FB0]  }
0x2c: {  	s7 =	sld [smem:$0x3FB1]  }
0x2d: {  	s3 =	simm.s32 $0x108;
	s8 =	sld [smem:$0x3FB2]  }
0x2e: {  	s3 =	simm.s32 @!p0 $0x1082;
	s9 =	sld [smem:$0x3FB3]  }
0x2f: {  	lr =	sadd.s32 s0, s3;
	s0 =	sld [smem:$0x3FAA]  }
0x30: {  	s3 =	sld [smem:$0x3FAD]  }
0x31: {  	[smem:$0x3FB6] =	sst s10  }
0x32: {  	s10 =	sld [smem:$0x3FB4];
	_ =	sdelay $0x3  }
0x33: {  	p0 =	seq.s32 s10, $0x1;
	s10 =	sld [smem:$0x3FB6];
	_ =	sdelay $0x3  }
0x34: {  	[smem:$0x3FB6] =	sst s10  }
0x35: {  	s10 =	sld [smem:$0x3FB5];
	_ =	sdelay $0x3  }
0x36: {  	p1 =	seq.s32 s10, $0x1;
	s10 =	sld [smem:$0x3FB6];
	_ =	sdelay $0x3  }
0x37: {  	[smem:$0x3FB6] =	sst s10  }
0x38: {  	s10 =	sld [smem:$0x3FB7]  }
0x39: {  	_ = 	snop;
	(pc) =	sbr.ind lr, $3  }
0x3a: {  	_ = 	snop  }
0x3b: {  	_ = 	snop  }
0x3c: {  	p2 =	seq.s32 s10, $0x1;
	s10 =	sld [smem:$0x3FB6]  }
0x3d: {  	_ =	shalt  }
0x3e: {  	_ =	shalt  }
0x3f: {  	_ =	shalt  }
0x40: {  	_ =	shalt  }
0x41: {  	_ =	shalt  }
0x42: {  	_ =	shalt  }
0x43: {  	_ =	shalt  }
0x44: {  	_ =	shalt  }
0x45: {  	_ =	shalt  }
0x46: {  	_ =	shalt  }
0x47: {  	_ =	shalt  }
0x48: {  	_ =	shalt  }
0x49: {  	_ =	shalt  }
0x4a: {  	_ =	shalt  }
0x4b: {  	_ =	shalt  }
0x4c: {  	_ =	shalt  }
0x4d: {  	_ =	shalt  }
0x4e: {  	_ =	shalt  }
0x4f: {  	_ =	shalt  }
0x50: {  	_ =	shalt  }
0x51: {  	_ =	shalt  }
0x52: {  	_ =	shalt  }
0x53: {  	_ =	shalt  }
0x54: {  	_ =	shalt  }
0x55: {  	_ =	shalt  }
0x56: {  	_ =	shalt  }
0x57: {  	_ =	shalt  }
0x58: {  	_ =	shalt  }
0x59: {  	_ =	shalt  }
0x5a: {  	_ =	shalt  }
0x5b: {  	_ =	shalt  }
0x5c: {  	_ =	shalt  }
0x5d: {  	_ =	shalt  }
0x5e: {  	_ =	shalt  }
0x5f: {  	_ =	shalt  }
0x60: {  	_ =	shalt  }
0x61: {  	_ =	shalt  }
0x62: {  	_ =	shalt  }
0x63: {  	_ =	shalt  }
0x64: {  	_ =	shalt  }
0x65: {  	_ =	shalt  }
0x66: {  	_ =	shalt  }
0x67: {  	_ =	shalt  }
0x68: {  	_ =	shalt  }
0x69: {  	_ =	shalt  }
0x6a: {  	_ =	shalt  }
0x6b: {  	_ =	shalt  }
0x6c: {  	_ =	shalt  }
0x6d: {  	_ =	shalt  }
0x6e: {  	_ =	shalt  }
0x6f: {  	_ =	shalt  }
0x70: {  	_ =	shalt  }
0x71: {  	_ =	shalt  }
0x72: {  	_ =	shalt  }
0x73: {  	_ =	shalt  }
0x74: {  	_ =	shalt  }
0x75: {  	_ =	shalt  }
0x76: {  	_ =	shalt  }
0x77: {  	_ =	shalt  }
0x78: {  	_ =	shalt  }
0x79: {  	_ =	shalt  }
0x7a: {  	_ =	shalt  }
0x7b: {  	_ =	shalt  }
0x7c: {  	_ =	shalt  }
0x7d: {  	_ =	shalt  }
0x7e: {  	_ =	shalt  }
0x7f: {  	_ =	shalt  }
0x80: {  	_ =	shalt  }
0x81: {  	_ =	shalt  }
0x82: {  	_ =	shalt  }
0x83: {  	_ =	shalt  }
0x84: {  	_ =	shalt  }
0x85: {  	_ =	shalt  }
0x86: {  	_ =	shalt  }
0x87: {  	_ =	shalt  }
.Lfunc_end0:
.L_simem_size_0:
called_computation.1_lowered:
.L_overlay_start_0:
0x88: {  	s2 =	sld [smem:$0x3FD9]  }
0x89: {  	s3 =	sld [smem:$0x3FFE];
	_ =	sdelay $0x1  }
0x8a: {  	s1 =	srdreg.scid  }
0x8b: {  	s0 =	sand.u32 $0x1, s1  }
0x8c: {  	s16 =	sshll.u32 s0, $0xA;
	s2 =	sadd.s32 s3, s2  }
0x8d: {  	s2 =	sadd.s32 s2, s16  }
0x8e: {  	[smem:$0x3FC2] =	sst s2  }
0x8f: {  	_ = 	snop  }
0x90: {  	(tm) =	ssettm $0x1  }
0x91: {  	s17 =	sld [smem:$0x3FFB];
	_ =	sdelay $0x3  }
0x92: {  	_ =	strace s17  }
0x93: {  	s2 =	sld [smem:$0x3FFC];
	_ =	sdelay $0x3  }
0x94: {  	_ =	strace s2  }
0x95: {  	s2 =	sld [smem:$0x3FFD];
	_ =	sdelay $0x3  }
0x96: {  	_ =	strace s2  }
0x97: {  	_ =	strace $0x8FFFFFFF  }
0x98: {  	s18 =	sld [smem:$0x3FDB];
	_ =	sdelay $0x1  }
0x99: {  	s19 =	simm.s32 $_scs_section_size  }
0x9a: {  	s4 =	simm.s32 $_size__tile_overlayer_lowered;
	s5 =	simm.s32 $_tile_overlayer_lowered  }
0x9b: {  	s22 =	simm.s32 $0x1BFF;
	s21 =	sshll.u32 s5, $0x1;
	s2 =	sadd.s32 s19, s18  }
0x9c: {  	s6 =	simm.s32 $0x0;
	s20 =	sshll.u32 s4, $0x1;
	s4 =	sadd.s32 s21, s2  }
0x9d: {  	[timem:s6], [sflag:s22] =	dma.local [hbm:s4], s20  }
0x9e: {  	_ =	swait.ge [sflag:s22], s20  }
0x9f: {  	s3 =	ssub.s32 $0x0, s20;
	[sflag:s22] =	ssyncset.done $0x0  }
0xa0: {  	[sflag:s22] =	ssyncadd.s32 s3;
	_ =	sdelay $0x1  }
0xa1: {  	s23 =	simm.s32 $0x1B8B  }
0xa2: {  	_ =	swait.ge [sflag:s23], $0x1  }
0xa3: {  	[sflag:s23] =	ssyncset.done $0x0  }
0xa4: {  	s25 =	simm.s32 $0x1B8E;
	s24 =	sld [smem:$0x3FFE];
	[sflag:s23] =	ssyncadd.s32 $0xFFFFFFFF  }
0xa5: {  	s26 =	simm.s32 $execute0_lowered;
	[smem:$0x3FD2] =	sst s25  }
0xa6: {  	s4 =	sshll.u32 s26, $0x1;
	_ =	strace $0x80000049;
	[dreg:$0x1] =	wrdreg $0xFFFFFFFF  }
0xa7: {  	s28 =	simm.s32 $_size_execute0_lowered;
	s2 =	sadd.s32 s2, s4;
	[dreg:$0x0] =	wrdreg $0x0  }
0xa8: {  	s4 =	sshll.u32 s28, $0x1;
	[dreg:$0x2] =	wrdreg s2  }
0xa9: {  	[dreg:$0x3] =	wrdreg s4  }
0xaa: {  	[dreg:$0x4] =	wrdreg $0xC0  }
0xab: {  	_ =	task [dreg:s6], $0x5FFFF  }
0xac: {  	[dreg:$0x1] =	wrdreg $0xFFFFFFFF  }
0xad: {  	[dreg:$0x0] =	wrdreg $0x60  }
0xae: {  	[dreg:$0x2] =	wrdreg s24  }
0xaf: {  	[dreg:$0x3] =	wrdreg $0x8E800  }
0xb0: {  	[dreg:$0x4] =	wrdreg $0x12C800  }
0xb1: {  	[dreg:$0x5] =	wrdreg $0x9  }
0xb2: {  	_ =	task.clear_ibuf [dreg:s6], $0x6FFFF;
	_ =	strace $0x90000049  }
0xb3: {  	s29 =	simm.s32 $0x9;
	_ =	strace $0x8000004B  }
0xb4: {  	_ =	swait.ge [sflag:s29], $0x1  }
0xb5: {  	[sflag:s29] =	ssyncadd.s32 $0xFFFFFFFF  }
0xb6: {  	_ =	strace $0x9000004B  }
0xb7: {  	_ =	sfence  }
0xb8: {  	s30 =	sld [smem:$0x0];
	_ =	sdelay $0x2  }
0xb9: {  	s31 =	sshll.u32 s1, $0xD;
	s1 =	sshrl.u32 s1, $0x2  }
0xba: {  	s3 =	sand.u32 $0x4000, s31;
	s1 =	sadd.s32 s1, s30  }
0xbb: {  	s0 =	sor.u32 s3, s0;
	s1 =	sshll.u32 s1, $0x11  }
0xbc: {  	s0 =	sor.u32 s1, s0  }
0xbd: {  	s0 =	sadd.s32 $0x8F2B, s0  }
0xbe: {  	[sflag:s0] =	ssyncadd.remote.s32 $0x1  }
0xbf: {  	_ =	sfence.sel $0xFFFF  }
0xc0: {  	[dreg:$0x0] =	wrdreg $0xFFFFFFFF;
	(pc) =	sbr.abs _section_cstart, $3  }
0xc1: {  	[dreg:$0x1] =	wrdreg $0xFFFFFFFF  }
0xc2: {  	_ =	task.clear_ibuf [dreg:s6], $0x2FFFF;
	_ =	strace $0x9FFFFFFF  }
0xc3: {  	(tm) =	ssettm $0x7FFFFFFF  }
tec
execute0_lowered:
.L_overlay_start_1:
0x0: {  	(tag) =	ssettag $0x1  }
0x1: {  	s5 =	rddreg [dreg:$0x0]  }
0x2: {  	s1 =	srdreg.scid;
	s2 =	rddreg [dreg:$0x1]  }
0x3: {  	s0 =	stileid.u32;
	s3 =	rddreg [dreg:$0x2];
	s4 =	simm.s32 $0x0  }
0x4: {  	s16 =	simm.s32 $0x1;
	s17 =	simm.s32 $0x8;
	s18 =	simm.s32 $0x10  }
0x5: {  	s19 =	simm.s32 $0x7D;
	s20 =	simm.s32 $0x5000;
	s21 =	simm.s32 $0x80  }
0x6: {  	s22 =	simm.s32 $0x6F40;
	s23 =	simm.s32 $0x2;
	s24 =	simm.s32 $0x3  }
0x7: {  	s25 =	simm.s32 $0x4;
	s26 =	simm.s32 $0x4F00;
	s28 =	simm.s32 $0x4F80  }
0x8: {  	s29 =	simm.s32 $0x0;
	s6 =	sand.u32 $0x1, s1;
	s7 =	smul.u32 $0x13C00, s0  }
0x9: {  	[smem:$0x7FF] =	sst s4;
	s10 =	smul.u32 $0x9E00, s0;
	s31 =	sshll.u32 s0, $0x6  }
0xa: {  	s8 =	sshll.u32 s6, $0x4;
	_ =	strace $0x8000004A;
	s11 =	sshll.u32 s6, $0x6  }
0xb: {  	s6 =	ssub.s32 $0x2, s6;
	s8 =	sor.u32 s0, s8;
	s9 =	sshrl.u32 s7, $0x3  }
0xc: {  	s7 =	sor.u32 s11, s7;
	s30 =	sshrl.u32 s10, $0x3;
	s12 =	sshrl.u32 s6, $0x1  }
0xd: {  	s14 =	sadd.s32 s10, s2;
	s15 =	sadd.s32 s10, s3;
	s8 =	smul.u32 $0x2800, s8  }
0xe: {  	s9 =	sadd.s32 s9, s5;
	s7 =	sshrl.u32 s7, $0x3;
	s11 =	sadd.s32 s30, s5  }
0xf: {  	s12 =	ssub.s32 s6, s12;
	s14 =	sshrl.u32 s14, $0x3;
	s15 =	sshrl.u32 s15, $0x3  }
0x10: {  	s13 =	sadd.s32 s7, s5;
	s7 =	sadd.s32 $0x3E800, s11;
	s8 =	sshrl.u32 s8, $0x3  }
0x11: {  	s10 =	smax.u32 s12, $0x1;
	s11 =	simm.s32 $0x5;
	s8 =	sadd.s32 s8, s5  }
0x12: {  	s12 =	simm.s32 $0x2800;
	s5 =	sadd.s32 $0x3000, s8;
	s6 =	sadd.s32 $0xD000, s8  }
0x13: {  	s8 =	sadd.s32 $0x17000, s9;
	s9 =	sadd.s32 $0x52400, s13;
	s13 =	sor.u32 $0x1C05, s31  }
.LBB2_1:
0x14: {  	[tilespmem:s4], [sflag:$0x5] =	stream.linear.gather [hbm4b:s5+s4], $0x2800, $0x38;
	[tilespmem:$0x1CA80] =	vst v63  }
0x15: {  	_ =	swait.ge [sflag:s11], $0x2800  }
0x16: {  	[sflag:s11] =	ssyncset.done $0x0  }
0x17: {  	[sflag:s11] =	ssyncadd.s32 $0xFFFFD800  }
0x18: {  	[tilespmem:s12], [sflag:$0x5] =	stream.linear.gather [hbm4b:s6+s4], $0x2800, $0x38;
	[tilespmem:$0x1CA80] =	vst v63  }
0x19: {  	_ =	swait.ge [sflag:s11], $0x2800  }
0x1a: {  	[sflag:s11] =	ssyncset.done $0x0  }
0x1b: {  	[sflag:s11] =	ssyncadd.s32 $0xFFFFD800  }
0x1c: {  	[spmem:s14], [sflag:s13] =	dma.local [hbm:s7], $0x13C0  }
0x1d: {  	_ =	swait.ge [sflag:s11], $0x13C0  }
0x1e: {  	[sflag:s11] =	ssyncset.done $0x0  }
0x1f: {  	[sflag:s11] =	ssyncadd.s32 $0xFFFFEC40  }
0x20: {  	[spmem:s15@s17], [sflag:s13] =	dma.strided [hbm:s8@s18], $0x13C0, s16, $0x8   }
0x21: {  	_ =	swait.ge [sflag:s11], $0x13C0  }
0x22: {  	[sflag:s11] =	ssyncset.done $0x0  }
0x23: {  	[sflag:s11] =	ssyncadd.s32 $0xFFFFEC40  }
0x24: {  	[bflag:$0x0] =	sbarrier.arrive $0xFFFF  }
0x25: {  	[tilespmem:s20], [sflag:$0x1] =	stream.indirect.gather [spmem:s3], $0x40, s4, s19, $0xb8;
	[tilespmem:$0x1CA80] =	vst v63  }
0x26: {  	_ = 	snop  }
0x27: {  	[tilespmem:s22], [sflag:$0x2] =	stream.indirect.gather [spmem:s3], $0x40, s21, s19, $0xb8;
	[tilespmem:$0x1CA80] =	vst v63  }
0x28: {  	_ =	swait.ge [sflag:s16], $0x1F40  }
0x29: {  	[sflag:s16] =	ssyncset.done $0x0  }
0x2a: {  	s30 =	simm.s32 $0x2800;
	[sflag:s16] =	ssyncadd.s32 $0xFFFFE0C0  }
0x2b: {  	[spmem:s2] =	stream.indirect.scatter.add.f32 [tilespmem:s20], [sflag:$0x3], $0x40, s30, s19, $0xb8;
	[tilespmem:$0x1CA80] =	vst v63  }
0x2c: {  	_ =	swait.ge [sflag:s23], $0x1F40  }
0x2d: {  	[sflag:s23] =	ssyncset.done $0x0  }
0x2e: {  	s30 =	simm.s32 $0x2880;
	[sflag:s23] =	ssyncadd.s32 $0xFFFFE0C0  }
0x2f: {  	[spmem:s2] =	stream.indirect.scatter.add.f32 [tilespmem:s22], [sflag:$0x4], $0x40, s30, s19, $0xb8;
	[tilespmem:$0x1CA80] =	vst v63  }
0x30: {  	_ =	swait.ge [sflag:s24], $0x1F40  }
0x31: {  	[sflag:s24] =	ssyncset.done $0x0  }
0x32: {  	s30 =	simm.s32 $0x100;
	[sflag:s24] =	ssyncadd.s32 $0xFFFFE0C0  }
0x33: {  	[tilespmem:s20], [sflag:$0x1] =	stream.indirect.gather [spmem:s3], $0x40, s30, s19, $0xb8;
	[tilespmem:$0x1CA80] =	vst v63  }
0x34: {  	_ =	swait.ge [sflag:s25], $0x1F40  }
0x35: {  	[sflag:s25] =	ssyncset.done $0x0  }
0x36: {  	s31 =	simm.s32 $0x180;
	s30 =	simm.s32 $0x400;
	[sflag:s25] =	ssyncadd.s32 $0xFFFFE0C0  }
.LBB2_2:
0x37: {  	[tilespmem:s22], [sflag:$0x2] =	stream.indirect.gather [spmem:s3], $0x40, s31, s19, $0xb8;
	[tilespmem:$0x1CA80] =	vst v63  }
0x38: {  	s31 =	smov.u32 s30  }
0x39: {  	p0 =	sne.s32 s30, $0x9800;
	s30 =	sadd.s32 $0x400, s30;
	_ =	swait.ge [sflag:s16], $0x1F40  }
0x3a: {  	s31 =	sshra.s32 s31, $0x2;
	[sflag:s16] =	ssyncset.done $0x0  }
0x3b: {  	s1 =	sadd.s32 $0x2800, s31;
	[sflag:s16] =	ssyncadd.s32 $0xFFFFE0C0  }
0x3c: {  	[spmem:s2] =	stream.indirect.scatter.add.f32 [tilespmem:s20], [sflag:$0x3], $0x40, s1, s19, $0xb8;
	[tilespmem:$0x1CA80] =	vst v63  }
0x3d: {  	_ =	swait.ge [sflag:s23], $0x1F40  }
0x3e: {  	[sflag:s23] =	ssyncset.done $0x0  }
0x3f: {  	s1 =	sadd.s32 $0x2880, s31;
	[sflag:s23] =	ssyncadd.s32 $0xFFFFE0C0  }
0x40: {  	[spmem:s2] =	stream.indirect.scatter.add.f32 [tilespmem:s22], [sflag:$0x4], $0x40, s1, s19, $0xb8;
	[tilespmem:$0x1CA80] =	vst v63  }
0x41: {  	_ =	swait.ge [sflag:s24], $0x1F40  }
0x42: {  	[sflag:s24] =	ssyncset.done $0x0  }
.Ltmp0:
0x43: {  	s1 =	sadd.s32 $0x100, s31;
	[sflag:s24] =	ssyncadd.s32 $0xFFFFE0C0;
	(pc) =	sbr.rel @p0 .LBB2_2-.Ltmp0, $4  }
0x44: {  	[tilespmem:s20], [sflag:$0x1] =	stream.indirect.gather [spmem:s3], $0x40, s1, s19, $0xb8;
	[tilespmem:$0x1CA80] =	vst v63  }
0x45: {  	_ =	swait.ge [sflag:s25], $0x1F40  }
0x46: {  	[sflag:s25] =	ssyncset.done $0x0  }
0x47: {  	s31 =	sadd.s32 $0x180, s31;
	[sflag:s25] =	ssyncadd.s32 $0xFFFFE0C0  }
0x48: {  	[tilespmem:s22], [sflag:$0x2] =	stream.indirect.gather [spmem:s3], $0x40, s31, s19, $0xb8;
	[tilespmem:$0x1CA80] =	vst v63  }
0x49: {  	_ =	swait.ge [sflag:s16], $0x1F40  }
0x4a: {  	[sflag:s16] =	ssyncset.done $0x0  }
0x4b: {  	[sflag:s16] =	ssyncadd.s32 $0xFFFFE0C0  }
0x4c: {  	[spmem:s2] =	stream.indirect.scatter.add.f32 [tilespmem:s20], [sflag:$0x3], $0x40, s26, s19, $0xb8;
	[tilespmem:$0x1CA80] =	vst v63  }
0x4d: {  	_ =	swait.ge [sflag:s23], $0x1F40  }
0x4e: {  	[sflag:s23] =	ssyncset.done $0x0  }
0x4f: {  	[sflag:s23] =	ssyncadd.s32 $0xFFFFE0C0  }
0x50: {  	[spmem:s2] =	stream.indirect.scatter.add.f32 [tilespmem:s22], [sflag:$0x4], $0x40, s28, s19, $0xb8;
	[tilespmem:$0x1CA80] =	vst v63  }
0x51: {  	_ =	swait.ge [sflag:s24], $0x1F40  }
0x52: {  	[sflag:s24] =	ssyncset.done $0x0  }
0x53: {  	[sflag:s24] =	ssyncadd.s32 $0xFFFFE0C0  }
0x54: {  	_ =	swait.ge [sflag:s25], $0x1F40  }
0x55: {  	s29 =	sadd.s32 $0x1, s29;
	[sflag:s25] =	ssyncset.done $0x0  }
0x56: {  	p0 =	sne.s32 s29, s10;
	[sflag:s25] =	ssyncadd.s32 $0xFFFFE0C0  }
.Ltmp1:
0x57: {  	[bflag:$0x0] =	sbarrier.arrive $0xFFFF;
	(pc) =	sbr.rel @p0 .LBB2_1-.Ltmp1, $4  }
0x58: {  	[hbm:s9@s18], [sflag:s13] =	dma.strided [spmem:s14@s17], $0x13C0, s16, $0x8   }
0x59: {  	_ =	swait.ge [sflag:s11], $0x13C0  }
0x5a: {  	[sflag:s11] =	ssyncset.done $0x0  }
0x5b: {  	[sflag:s11] =	ssyncadd.s32 $0xFFFFEC40  }
0x5c: {  	_ =	sfence.sel $0x180000  }
0x5d: {  	[bflag:$0x0] =	sbarrier.arrive $0xFFFF  }
0x5e: {  	_ =	strace $0x9000004A  }
0x5f: {  	[bflag:$0x2] =	sbarrier.arrive $0xFFFF  }
0x60: {  	p0 =	sne.s32 s0, $0x0;
	s0 =	rddreg [dreg:$0x3]  }
0x61: {  	s0 =	sadd.s32 @!p0 $0x100000, s0  }
0x62: {  	[sflag:s0] =	ssyncadd.tile.s32 @!p0 $0x1;
	_ =	shalt  }
.Lfunc_end2:
_tile_overlayer_lowered:
.L_overlay_start_2:
0x63: {  	(tag) =	ssettag $0x2  }
0x64: {  	s0 =	rddreg [dreg:$0x0];
	s2 =	stileid.u32  }
0x65: {  	s1 =	rddreg [dreg:$0x1];
	p0 =	sne.s32 s2, $0x0  }
0x66: {  	s3 =	rddreg [dreg:$0x2];
	[bflag:$0x3] =	sbarrier.arrive $0xFFFF;
	s2 =	simm.s32 @!p0 $0x1C05  }
0x67: {  	[timem:s3], [sflag:s2] =	dma.local @!p0 [hbm:s0], s1  }
0x68: {  	s0 =	simm.s32 @!p0 $0x5  }
0x69: {  	_ =	swait.ge @!p0 [sflag:s0], s1  }
0x6a: {  	s1 =	ssub.s32 @!p0 $0x0, s1;
	[sflag:s0] =	ssyncset.done @!p0 $0x0  }
0x6b: {  	[sflag:s0] =	ssyncadd.s32 @!p0 s1  }
0x6c: {  	[bflag:$0x3] =	sbarrier.arrive $0xFFFF  }
0x6d: {  	_ =	shalt  }

// kernel: kernel.15.cloned.1.call-start
scs
__scs_entry_jumppad:
0x0: {  	(pc) =	sbr.rel $0x88, $3  }
0x1: {  	(tag) =	ssettag $0x0;
	lr =	simm.s32 $0x1  }
0x2: {  	[smem:$0x3F9B] =	sst lr;
	_ =	strace $0xD0000000  }
0x3: {  	_ = 	snop  }
0x4: {  	_ = 	snop  }
0x5: {  	_ = 	snop  }
0x6: {  	_ = 	snop  }
0x7: {  	_ = 	snop  }
__scs_overlays_trampoline_lowered:
0x8: {  	[smem:$0x3FAA] =	sst s0  }
0x9: {  	[smem:$0x3FAB] =	sst s1  }
0xa: {  	[smem:$0x3FAC] =	sst s2  }
0xb: {  	[smem:$0x3FAD] =	sst s3  }
0xc: {  	[smem:$0x3FAE] =	sst s4  }
0xd: {  	[smem:$0x3FAF] =	sst s5  }
0xe: {  	[smem:$0x3FB0] =	sst s6  }
0xf: {  	[smem:$0x3FB1] =	sst s7  }
0x10: {  	[smem:$0x3FB2] =	sst s8  }
0x11: {  	[smem:$0x3FB3] =	sst s9;
	s0 =	simm.s32 @!p0 $0x0  }
0x12: {  	s1 =	sld [smem:$0x3F99];
	s0 =	simm.s32 @p0 $0x1  }
0x13: {  	[smem:$0x3FB4] =	sst s0;
	s0 =	simm.s32 @!p1 $0x0  }
0x14: {  	s2 =	sld [smem:$0x3F98];
	s0 =	simm.s32 @p1 $0x1  }
0x15: {  	[smem:$0x3FB5] =	sst s0;
	s0 =	simm.s32 @!p2 $0x0  }
0x16: {  	s3 =	sld [smem:$0x3FDB];
	s0 =	simm.s32 @p2 $0x1  }
0x17: {  	s4 =	simm.s32 $0x1BF5;
	[smem:$0x3FB7] =	sst s0  }
0x18: {  	s0 =	sld [smem:$0x3F9A];
	_ =	swait.ge [sflag:s4], $0x0  }
0x19: {  	s7 =	sld [smem:$0x3F9B]  }
0x1a: {  	s8 =	sadd.s32 $0xFFFFE003, lr  }
0x1b: {  	s9 =	sadd.s32 $0xFFFFFEF7, lr;
	s5 =	simm.s32 $0xFFFFFFFF;
	p2 =	slt.u32 s8, $0xFFFFF086  }
0x1c: {  	p1 =	slt.u32 s9, $0xF7A;
	s5 =	simm.s32 @!p2 $0x0  }
0x1d: {  	s5 =	simm.s32 @p1 $0x1;
	p0 =	seq.s32 s7, s2  }
0x1e: {  	s7 =	smul.u32 @!p0 $0xF7A, s2;
	p2 =	seq.s32 @!p0 s5, $0x0  }
0x1f: {  	s9 =	smul.u32 $0xF7A, s1;
	s8 =	simm.s32 @!p0 $0x1BF5;
	p2 =	por !p2, p0  }
0x20: {  	[sflag:s8] =	ssyncset.s32 @!p0 $0xFFFFF086;
	s6 =	sadd.s32 @!p0 s3, s7;
	s7 =	simm.s32 @!p0 $0x108  }
0x21: {  	s3 =	sadd.s32 s3, s9;
	s6 =	sadd.s32 @!p0 $0x88, s6;
	s7 =	simm.s32 @p2 $0x1082  }
0x22: {  	[simem:s7], [sflag:s8] =	dma.local @!p0 [hbm:s6], $0xF7A  }
0x23: {  	s9 =	sor.u32 $0xD0000000, s2;
	s6 =	simm.s32 $0x108;
	_ =	swait.ge @!p0 [sflag:s8], $0x0  }
0x24: {  	s3 =	sadd.s32 $0x88, s3;
	s6 =	simm.s32 @!p1 $0x1082;
	[sflag:s4] =	ssyncset.s32 $0xFFFFF086  }
0x25: {  	[simem:s6], [sflag:s4] =	dma.local [hbm:s3], $0xF7A  }
0x26: {  	[smem:$0x3F9B] =	sst s1;
	(tag) =	ssettag s2;
	_ =	strace s9  }
0x27: {  	s1 =	sld [smem:$0x3FAB]  }
0x28: {  	s2 =	sld [smem:$0x3FAC]  }
0x29: {  	s4 =	sld [smem:$0x3FAE]  }
0x2a: {  	p0 =	seq.s32 s5, $0x0;
	s5 =	sld [smem:$0x3FAF]  }
0x2b: {  	s6 =	sld [smem:$0x3FB0]  }
0x2c: {  	s7 =	sld [smem:$0x3FB1]  }
0x2d: {  	s3 =	simm.s32 $0x108;
	s8 =	sld [smem:$0x3FB2]  }
0x2e: {  	s3 =	simm.s32 @!p0 $0x1082;
	s9 =	sld [smem:$0x3FB3]  }
0x2f: {  	lr =	sadd.s32 s0, s3;
	s0 =	sld [smem:$0x3FAA]  }
0x30: {  	s3 =	sld [smem:$0x3FAD]  }
0x31: {  	[smem:$0x3FB6] =	sst s10  }
0x32: {  	s10 =	sld [smem:$0x3FB4];
	_ =	sdelay $0x3  }
0x33: {  	p0 =	seq.s32 s10, $0x1;
	s10 =	sld [smem:$0x3FB6];
	_ =	sdelay $0x3  }
0x34: {  	[smem:$0x3FB6] =	sst s10  }
0x35: {  	s10 =	sld [smem:$0x3FB5];
	_ =	sdelay $0x3  }
0x36: {  	p1 =	seq.s32 s10, $0x1;
	s10 =	sld [smem:$0x3FB6];
	_ =	sdelay $0x3  }
0x37: {  	[smem:$0x3FB6] =	sst s10  }
0x38: {  	s10 =	sld [smem:$0x3FB7]  }
0x39: {  	_ = 	snop;
	(pc) =	sbr.ind lr, $3  }
0x3a: {  	_ = 	snop  }
0x3b: {  	_ = 	snop  }
0x3c: {  	p2 =	seq.s32 s10, $0x1;
	s10 =	sld [smem:$0x3FB6]  }
0x3d: {  	_ =	shalt  }
0x3e: {  	_ =	shalt  }
0x3f: {  	_ =	shalt  }
0x40: {  	_ =	shalt  }
0x41: {  	_ =	shalt  }
0x42: {  	_ =	shalt  }
0x43: {  	_ =	shalt  }
0x44: {  	_ =	shalt  }
0x45: {  	_ =	shalt  }
0x46: {  	_ =	shalt  }
0x47: {  	_ =	shalt  }
0x48: {  	_ =	shalt  }
0x49: {  	_ =	shalt  }
0x4a: {  	_ =	shalt  }
0x4b: {  	_ =	shalt  }
0x4c: {  	_ =	shalt  }
0x4d: {  	_ =	shalt  }
0x4e: {  	_ =	shalt  }
0x4f: {  	_ =	shalt  }
0x50: {  	_ =	shalt  }
0x51: {  	_ =	shalt  }
0x52: {  	_ =	shalt  }
0x53: {  	_ =	shalt  }
0x54: {  	_ =	shalt  }
0x55: {  	_ =	shalt  }
0x56: {  	_ =	shalt  }
0x57: {  	_ =	shalt  }
0x58: {  	_ =	shalt  }
0x59: {  	_ =	shalt  }
0x5a: {  	_ =	shalt  }
0x5b: {  	_ =	shalt  }
0x5c: {  	_ =	shalt  }
0x5d: {  	_ =	shalt  }
0x5e: {  	_ =	shalt  }
0x5f: {  	_ =	shalt  }
0x60: {  	_ =	shalt  }
0x61: {  	_ =	shalt  }
0x62: {  	_ =	shalt  }
0x63: {  	_ =	shalt  }
0x64: {  	_ =	shalt  }
0x65: {  	_ =	shalt  }
0x66: {  	_ =	shalt  }
0x67: {  	_ =	shalt  }
0x68: {  	_ =	shalt  }
0x69: {  	_ =	shalt  }
0x6a: {  	_ =	shalt  }
0x6b: {  	_ =	shalt  }
0x6c: {  	_ =	shalt  }
0x6d: {  	_ =	shalt  }
0x6e: {  	_ =	shalt  }
0x6f: {  	_ =	shalt  }
0x70: {  	_ =	shalt  }
0x71: {  	_ =	shalt  }
0x72: {  	_ =	shalt  }
0x73: {  	_ =	shalt  }
0x74: {  	_ =	shalt  }
0x75: {  	_ =	shalt  }
0x76: {  	_ =	shalt  }
0x77: {  	_ =	shalt  }
0x78: {  	_ =	shalt  }
0x79: {  	_ =	shalt  }
0x7a: {  	_ =	shalt  }
0x7b: {  	_ =	shalt  }
0x7c: {  	_ =	shalt  }
0x7d: {  	_ =	shalt  }
0x7e: {  	_ =	shalt  }
0x7f: {  	_ =	shalt  }
0x80: {  	_ =	shalt  }
0x81: {  	_ =	shalt  }
0x82: {  	_ =	shalt  }
0x83: {  	_ =	shalt  }
0x84: {  	_ =	shalt  }
0x85: {  	_ =	shalt  }
0x86: {  	_ =	shalt  }
0x87: {  	_ =	shalt  }
.Lfunc_end0:
.L_simem_size_0:
called_computation.2_lowered:
.L_overlay_start_0:
0x88: {  	s2 =	sld [smem:$0x3FD9]  }
0x89: {  	s3 =	sld [smem:$0x3FFE];
	_ =	sdelay $0x1  }
0x8a: {  	s1 =	srdreg.scid  }
0x8b: {  	s0 =	sand.u32 $0x1, s1  }
0x8c: {  	s17 =	sshll.u32 s0, $0xA;
	s2 =	sadd.s32 s3, s2  }
0x8d: {  	s2 =	sadd.s32 s2, s17  }
0x8e: {  	[smem:$0x3FC2] =	sst s2  }
0x8f: {  	_ = 	snop  }
0x90: {  	s2 =	sld [smem:$0x3FD0];
	(tm) =	ssettm $0x1  }
0x91: {  	s18 =	sld [smem:$0x3FFB];
	_ =	sdelay $0x3  }
0x92: {  	_ =	strace s18  }
0x93: {  	s3 =	sld [smem:$0x3FFC];
	_ =	sdelay $0x3  }
0x94: {  	_ =	strace s3  }
0x95: {  	s3 =	sld [smem:$0x3FFD];
	_ =	sdelay $0x3  }
0x96: {  	_ =	strace s3  }
0x97: {  	_ =	strace $0x8FFFFFFF  }
0x98: {  	s19 =	sld [smem:$0x3FDB];
	_ =	sdelay $0x1  }
0x99: {  	s4 =	simm.s32 $_scs_section_size  }
0x9a: {  	s5 =	simm.s32 $_size__tile_overlayer_lowered;
	s6 =	simm.s32 $_tile_overlayer_lowered  }
0x9b: {  	s22 =	simm.s32 $0x1BFF;
	s21 =	sshll.u32 s6, $0x1;
	s3 =	sadd.s32 s4, s19  }
0x9c: {  	s7 =	simm.s32 $0x0;
	s20 =	sshll.u32 s5, $0x1;
	s5 =	sadd.s32 s21, s3  }
0x9d: {  	[timem:s7], [sflag:s22] =	dma.local [hbm:s5], s20  }
0x9e: {  	_ =	swait.ge [sflag:s22], s20  }
0x9f: {  	s4 =	ssub.s32 $0x0, s20;
	[sflag:s22] =	ssyncset.done $0x0  }
0xa0: {  	[sflag:s22] =	ssyncadd.s32 s4;
	_ =	sdelay $0x1  }
0xa1: {  	s23 =	simm.s32 $0x1B8B  }
0xa2: {  	_ =	swait.ge [sflag:s23], $0x1  }
0xa3: {  	[sflag:s23] =	ssyncset.done $0x0  }
0xa4: {  	s25 =	simm.s32 $0x1B8E;
	s24 =	sld [smem:$0x3FFE];
	[sflag:s23] =	ssyncadd.s32 $0xFFFFFFFF  }
0xa5: {  	s26 =	simm.s32 $execute0_lowered;
	[smem:$0x3FD2] =	sst s25  }
0xa6: {  	s5 =	sshll.u32 s26, $0x1;
	_ =	strace $0x8000004C;
	[dreg:$0x1] =	wrdreg $0xFFFFFFFF  }
0xa7: {  	s28 =	simm.s32 $_size_execute0_lowered;
	s3 =	sadd.s32 s3, s5;
	[dreg:$0x0] =	wrdreg $0x0  }
0xa8: {  	s5 =	sshll.u32 s28, $0x1;
	[dreg:$0x2] =	wrdreg s3  }
0xa9: {  	[dreg:$0x3] =	wrdreg s5  }
0xaa: {  	[dreg:$0x4] =	wrdreg $0xC0  }
0xab: {  	_ =	task [dreg:s7], $0x5FFFF  }
0xac: {  	[dreg:$0x1] =	wrdreg $0xFFFFFFFF  }
0xad: {  	[dreg:$0x0] =	wrdreg $0x60  }
0xae: {  	[dreg:$0x2] =	wrdreg s24  }
0xaf: {  	[dreg:$0x3] =	wrdreg s2  }
0xb0: {  	[dreg:$0x4] =	wrdreg $0x6F400  }
0xb1: {  	[dreg:$0x5] =	wrdreg $0xBE400  }
0xb2: {  	[dreg:$0x6] =	wrdreg $0x9  }
0xb3: {  	_ =	task.clear_ibuf [dreg:s7], $0x7FFFF;
	_ =	strace $0x9000004C  }
0xb4: {  	s29 =	simm.s32 $0x9;
	_ =	strace $0x8000004E  }
0xb5: {  	_ =	swait.ge [sflag:s29], $0x1  }
0xb6: {  	[sflag:s29] =	ssyncadd.s32 $0xFFFFFFFF  }
0xb7: {  	_ =	strace $0x9000004E  }
0xb8: {  	_ =	sfence  }
0xb9: {  	s30 =	sld [smem:$0x0];
	_ =	sdelay $0x2  }
0xba: {  	s31 =	sshll.u32 s1, $0xD;
	s1 =	sshrl.u32 s1, $0x2  }
0xbb: {  	s3 =	sand.u32 $0x4000, s31;
	s1 =	sadd.s32 s1, s30  }
0xbc: {  	s0 =	sor.u32 s3, s0;
	s1 =	sshll.u32 s1, $0x11  }
0xbd: {  	s0 =	sor.u32 s1, s0  }
0xbe: {  	s0 =	sadd.s32 $0x8F2B, s0  }
0xbf: {  	[sflag:s0] =	ssyncadd.remote.s32 $0x1  }
0xc0: {  	_ =	sfence.sel $0xFFFF  }
0xc1: {  	[dreg:$0x0] =	wrdreg $0xFFFFFFFF;
	(pc) =	sbr.abs _section_cstart, $3  }
0xc2: {  	[dreg:$0x1] =	wrdreg $0xFFFFFFFF  }
0xc3: {  	_ =	task.clear_ibuf [dreg:s7], $0x2FFFF;
	_ =	strace $0x9FFFFFFF  }
0xc4: {  	(tm) =	ssettm $0x7FFFFFFF  }
0xc5: {  	_ =	shalt  }
tec
execute0_lowered:
.L_overlay_start_1:
0x0: {  	(tag) =	ssettag $0x1  }
0x1: {  	s5 =	rddreg [dreg:$0x0]  }
0x2: {  	s7 =	rddreg [dreg:$0x1]  }
0x3: {  	s1 =	srdreg.scid;
	s2 =	rddreg [dreg:$0x2]  }
0x4: {  	s0 =	stileid.u32;
	s3 =	rddreg [dreg:$0x3]  }
0x5: {  	s4 =	simm.s32 $0x0;
	s16 =	simm.s32 $0x1;
	s17 =	simm.s32 $0x4  }
0x6: {  	s18 =	simm.s32 $0x10;
	s19 =	simm.s32 $0x7D;
	s20 =	simm.s32 $0x5000  }
0x7: {  	s21 =	simm.s32 $0x80;
	s22 =	simm.s32 $0x5FA0;
	s23 =	simm.s32 $0x2  }
0x8: {  	s24 =	simm.s32 $0x3;
	s25 =	simm.s32 $0x4F00;
	s26 =	simm.s32 $0x4F80  }
0x9: {  	s6 =	sand.u32 $0x1, s1;
	s8 =	smul.u32 $0x13C00, s0;
	s1 =	rddreg [dreg:$0x4]  }
0xa: {  	s28 =	simm.s32 $0x0;
	[smem:$0x7FF] =	sst s4;
	s12 =	smul.u32 $0x4F00, s0  }
0xb: {  	s31 =	sshll.u32 s0, $0x6;
	s9 =	sshll.u32 s6, $0x4;
	_ =	strace $0x8000004D  }
0xc: {  	s11 =	sshll.u32 s6, $0x5;
	s6 =	ssub.s32 $0x2, s6;
	s9 =	sor.u32 s0, s9  }
0xd: {  	s10 =	sshrl.u32 s8, $0x3;
	s8 =	sor.u32 s11, s8;
	s29 =	sshrl.u32 s6, $0x1  }
0xe: {  	s30 =	sshrl.u32 s12, $0x3;
	s14 =	sadd.s32 s12, s2;
	s15 =	sadd.s32 s12, s3  }
0xf: {  	s12 =	simm.s32 $0x2800;
	s9 =	smul.u32 $0x2800, s9;
	s10 =	sadd.s32 s10, s5  }
0x10: {  	s8 =	sshrl.u32 s8, $0x3;
	s11 =	ssub.s32 s6, s29;
	s7 =	sadd.s32 s7, s30  }
0x11: {  	s14 =	sshrl.u32 s14, $0x3;
	s15 =	sshrl.u32 s15, $0x3;
	s9 =	sshrl.u32 s9, $0x3  }
0x12: {  	s13 =	sadd.s32 s8, s5;
	s8 =	sadd.s32 $0x17000, s10;
	s9 =	sadd.s32 s9, s5  }
0x13: {  	s10 =	smax.u32 s11, $0x1;
	s11 =	simm.s32 $0x5;
	s5 =	sadd.s32 $0x3000, s9  }
0x14: {  	s6 =	sadd.s32 $0xD000, s9;
	s9 =	sadd.s32 $0x3E800, s13;
	s13 =	sor.u32 $0x1C05, s31  }
.LBB2_1:
0x15: {  	[tilespmem:s4], [sflag:$0x5] =	stream.linear.gather [hbm4b:s5+s4], $0x2800, $0x38;
	[tilespmem:$0x10D40] =	vst v63  }
0x16: {  	_ =	swait.ge [sflag:s11], $0x2800  }
0x17: {  	[sflag:s11] =	ssyncset.done $0x0  }
0x18: {  	[sflag:s11] =	ssyncadd.s32 $0xFFFFD800  }
0x19: {  	[tilespmem:s12], [sflag:$0x5] =	stream.linear.gather [hbm4b:s6+s4], $0x2800, $0x38;
	[tilespmem:$0x10D40] =	vst v63  }
0x1a: {  	_ =	swait.ge [sflag:s11], $0x2800  }
0x1b: {  	[sflag:s11] =	ssyncset.done $0x0  }
0x1c: {  	[sflag:s11] =	ssyncadd.s32 $0xFFFFD800  }
0x1d: {  	[spmem:s14], [sflag:s13] =	dma.local [hbm:s7], $0x9E0  }
0x1e: {  	_ =	swait.ge [sflag:s11], $0x9E0  }
0x1f: {  	[sflag:s11] =	ssyncset.done $0x0  }
0x20: {  	[sflag:s11] =	ssyncadd.s32 $0xFFFFF620  }
0x21: {  	[spmem:s15@s17], [sflag:s13] =	dma.strided [hbm:s8@s18], $0x9E0, s16, $0x4   }
0x22: {  	_ =	swait.ge [sflag:s11], $0x9E0  }
0x23: {  	[sflag:s11] =	ssyncset.done $0x0  }
0x24: {  	[sflag:s11] =	ssyncadd.s32 $0xFFFFF620  }
0x25: {  	[bflag:$0x0] =	sbarrier.arrive $0xFFFF  }
0x26: {  	[tilespmem:s20], [sflag:$0x1] =	stream.indirect.gather [spmem:s3], $0x20, s4, s19, $0xb8;
	[tilespmem:$0x10D40] =	vst v63  }
0x27: {  	_ = 	snop  }
0x28: {  	[tilespmem:s22], [sflag:$0x2] =	stream.indirect.gather [spmem:s3], $0x20, s21, s19, $0xb8;
	[tilespmem:$0x10D40] =	vst v63  }
0x29: {  	_ =	swait.ge [sflag:s16], $0xFA0  }
0x2a: {  	[sflag:s16] =	ssyncset.done $0x0  }
0x2b: {  	s29 =	simm.s32 $0x2800;
	[sflag:s16] =	ssyncadd.s32 $0xFFFFF060  }
0x2c: {  	[spmem:s2] =	stream.indirect.scatter.add.f32 [tilespmem:s20], [sflag:$0x3], $0x20, s29, s19, $0xb8;
	[tilespmem:$0x10D40] =	vst v63  }
0x2d: {  	_ =	swait.ge [sflag:s23], $0xFA0  }
0x2e: {  	[sflag:s23] =	ssyncset.done $0x0  }
0x2f: {  	s29 =	simm.s32 $0x2880;
	[sflag:s23] =	ssyncadd.s32 $0xFFFFF060  }
0x30: {  	[spmem:s2] =	stream.indirect.scatter.add.f32 [tilespmem:s22], [sflag:$0x4], $0x20, s29, s19, $0xb8;
	[tilespmem:$0x10D40] =	vst v63  }
0x31: {  	_ =	swait.ge [sflag:s24], $0xFA0  }
0x32: {  	[sflag:s24] =	ssyncset.done $0x0  }
0x33: {  	s29 =	simm.s32 $0x100;
	[sflag:s24] =	ssyncadd.s32 $0xFFFFF060  }
0x34: {  	[tilespmem:s20], [sflag:$0x1] =	stream.indirect.gather [spmem:s3], $0x20, s29, s19, $0xb8;
	[tilespmem:$0x10D40] =	vst v63  }
0x35: {  	_ =	swait.ge [sflag:s17], $0xFA0  }
0x36: {  	[sflag:s17] =	ssyncset.done $0x0  }
0x37: {  	s30 =	simm.s32 $0x180;
	s29 =	simm.s32 $0x400;
	[sflag:s17] =	ssyncadd.s32 $0xFFFFF060  }
.LBB2_2:
0x38: {  	[tilespmem:s22], [sflag:$0x2] =	stream.indirect.gather [spmem:s3], $0x20, s30, s19, $0xb8;
	[tilespmem:$0x10D40] =	vst v63  }
0x39: {  	s30 =	smov.u32 s29  }
0x3a: {  	p0 =	sne.s32 s29, $0x9800;
	s29 =	sadd.s32 $0x400, s29;
	_ =	swait.ge [sflag:s16], $0xFA0  }
0x3b: {  	s30 =	sshra.s32 s30, $0x2;
	[sflag:s16] =	ssyncset.done $0x0  }
0x3c: {  	s31 =	sadd.s32 $0x2800, s30;
	[sflag:s16] =	ssyncadd.s32 $0xFFFFF060  }
0x3d: {  	[spmem:s2] =	stream.indirect.scatter.add.f32 [tilespmem:s20], [sflag:$0x3], $0x20, s31, s19, $0xb8;
	[tilespmem:$0x10D40] =	vst v63  }
0x3e: {  	_ =	swait.ge [sflag:s23], $0xFA0  }
0x3f: {  	[sflag:s23] =	ssyncset.done $0x0  }
0x40: {  	s31 =	sadd.s32 $0x2880, s30;
	[sflag:s23] =	ssyncadd.s32 $0xFFFFF060  }
0x41: {  	[spmem:s2] =	stream.indirect.scatter.add.f32 [tilespmem:s22], [sflag:$0x4], $0x20, s31, s19, $0xb8;
	[tilespmem:$0x10D40] =	vst v63  }
0x42: {  	_ =	swait.ge [sflag:s24], $0xFA0  }
0x43: {  	[sflag:s24] =	ssyncset.done $0x0  }
.Ltmp0:
0x44: {  	s31 =	sadd.s32 $0x100, s30;
	[sflag:s24] =	ssyncadd.s32 $0xFFFFF060;
	(pc) =	sbr.rel @p0 .LBB2_2-.Ltmp0, $4  }
0x45: {  	[tilespmem:s20], [sflag:$0x1] =	stream.indirect.gather [spmem:s3], $0x20, s31, s19, $0xb8;
	[tilespmem:$0x10D40] =	vst v63  }
0x46: {  	_ =	swait.ge [sflag:s17], $0xFA0  }
0x47: {  	[sflag:s17] =	ssyncset.done $0x0  }
0x48: {  	s30 =	sadd.s32 $0x180, s30;
	[sflag:s17] =	ssyncadd.s32 $0xFFFFF060  }
0x49: {  	[tilespmem:s22], [sflag:$0x2] =	stream.indirect.gather [spmem:s3], $0x20, s30, s19, $0xb8;
	[tilespmem:$0x10D40] =	vst v63  }
0x4a: {  	_ =	swait.ge [sflag:s16], $0xFA0  }
0x4b: {  	[sflag:s16] =	ssyncset.done $0x0  }
0x4c: {  	[sflag:s16] =	ssyncadd.s32 $0xFFFFF060  }
0x4d: {  	[spmem:s2] =	stream.indirect.scatter.add.f32 [tilespmem:s20], [sflag:$0x3], $0x20, s25, s19, $0xb8;
	[tilespmem:$0x10D40] =	vst v63  }
0x4e: {  	_ =	swait.ge [sflag:s23], $0xFA0  }
0x4f: {  	[sflag:s23] =	ssyncset.done $0x0  }
0x50: {  	[sflag:s23] =	ssyncadd.s32 $0xFFFFF060  }
0x51: {  	[spmem:s2] =	stream.indirect.scatter.add.f32 [tilespmem:s22], [sflag:$0x4], $0x20, s26, s19, $0xb8;
	[tilespmem:$0x10D40] =	vst v63  }
0x52: {  	_ =	swait.ge [sflag:s24], $0xFA0  }
0x53: {  	[sflag:s24] =	ssyncset.done $0x0  }
0x54: {  	[sflag:s24] =	ssyncadd.s32 $0xFFFFF060  }
0x55: {  	_ =	swait.ge [sflag:s17], $0xFA0  }
0x56: {  	s28 =	sadd.s32 $0x1, s28;
	[sflag:s17] =	ssyncset.done $0x0  }
0x57: {  	p0 =	sne.s32 s28, s10;
	[sflag:s17] =	ssyncadd.s32 $0xFFFFF060  }
.Ltmp1:
0x58: {  	[bflag:$0x0] =	sbarrier.arrive $0xFFFF;
	(pc) =	sbr.rel @p0 .LBB2_1-.Ltmp1, $4  }
0x59: {  	[hbm:s9@s18], [sflag:s13] =	dma.strided [spmem:s14@s17], $0x9E0, s16, $0x4   }
0x5a: {  	_ =	swait.ge [sflag:s11], $0x9E0  }
0x5b: {  	[sflag:s11] =	ssyncset.done $0x0  }
0x5c: {  	[sflag:s11] =	ssyncadd.s32 $0xFFFFF620  }
0x5d: {  	_ =	sfence.sel $0x180000  }
0x5e: {  	[bflag:$0x0] =	sbarrier.arrive $0xFFFF  }
0x5f: {  	p0 =	sne.s32 s0, $0x0;
	_ =	strace $0x9000004D  }
0x60: {  	s0 =	sadd.s32 @!p0 $0x100000, s1;
	[bflag:$0x2] =	sbarrier.arrive $0xFFFF  }
0x61: {  	[sflag:s0] =	ssyncadd.tile.s32 @!p0 $0x1;
	_ =	shalt  }
.Lfunc_end2:
_tile_overlayer_lowered:
.L_overlay_start_2:
0x62: {  	(tag) =	ssettag $0x2  }
0x63: {  	s0 =	rddreg [dreg:$0x0];
	s2 =	stileid.u32  }
0x64: {  	s1 =	rddreg [dreg:$0x1];
	p0 =	sne.s32 s2, $0x0  }
0x65: {  	s3 =	rddreg [dreg:$0x2];
	[bflag:$0x3] =	sbarrier.arrive $0xFFFF;
	s2 =	simm.s32 @!p0 $0x1C05  }
0x66: {  	[timem:s3], [sflag:s2] =	dma.local @!p0 [hbm:s0], s1  }
0x67: {  	s0 =	simm.s32 @!p0 $0x5  }
0x68: {  	_ =	swait.ge @!p0 [sflag:s0], s1  }
0x69: {  	s1 =	ssub.s32 @!p0 $0x0, s1;
	[sflag:s0] =	ssyncset.done @!p0 $0x0  }
0x6a: {  	[sflag:s0] =	ssyncadd.s32 @!p0 s1  }
0x6b: {  	[bflag:$0x3] =	sbarrier.arrive $0xFFFF  }
0x6c: {  	_ =	shalt  }

// kernel: kernel.9.cloned.1.call-start
scs
__scs_entry_jumppad:
0x0: {  	(pc) =	sbr.rel $0x88, $3  }
0x1: {  	(tag) =	ssettag $0x0;
	lr =	simm.s32 $0x1  }
0x2: {  	[smem:$0x3F9B] =	sst lr;
	_ =	strace $0xD0000000  }
0x3: {  	_ = 	snop  }
0x4: {  	_ = 	snop  }
0x5: {  	_ = 	snop  }
0x6: {  	_ = 	snop  }
0x7: {  	_ = 	snop  }
__scs_overlays_trampoline_lowered:
0x8: {  	[smem:$0x3FAA] =	sst s0  }
0x9: {  	[smem:$0x3FAB] =	sst s1  }
0xa: {  	[smem:$0x3FAC] =	sst s2  }
0xb: {  	[smem:$0x3FAD] =	sst s3  }
0xc: {  	[smem:$0x3FAE] =	sst s4  }
0xd: {  	[smem:$0x3FAF] =	sst s5  }
0xe: {  	[smem:$0x3FB0] =	sst s6  }
0xf: {  	[smem:$0x3FB1] =	sst s7  }
0x10: {  	[smem:$0x3FB2] =	sst s8  }
0x11: {  	[smem:$0x3FB3] =	sst s9;
	s0 =	simm.s32 @!p0 $0x0  }
0x12: {  	s1 =	sld [smem:$0x3F99];
	s0 =	simm.s32 @p0 $0x1  }
0x13: {  	[smem:$0x3FB4] =	sst s0;
	s0 =	simm.s32 @!p1 $0x0  }
0x14: {  	s2 =	sld [smem:$0x3F98];
	s0 =	simm.s32 @p1 $0x1  }
0x15: {  	[smem:$0x3FB5] =	sst s0;
	s0 =	simm.s32 @!p2 $0x0  }
0x16: {  	s3 =	sld [smem:$0x3FDB];
	s0 =	simm.s32 @p2 $0x1  }
0x17: {  	s4 =	simm.s32 $0x1BF5;
	[smem:$0x3FB7] =	sst s0  }
0x18: {  	s0 =	sld [smem:$0x3F9A];
	_ =	swait.ge [sflag:s4], $0x0  }
0x19: {  	s7 =	sld [smem:$0x3F9B]  }
0x1a: {  	s8 =	sadd.s32 $0xFFFFE003, lr  }
0x1b: {  	s9 =	sadd.s32 $0xFFFFFEF7, lr;
	s5 =	simm.s32 $0xFFFFFFFF;
	p2 =	slt.u32 s8, $0xFFFFF086  }
0x1c: {  	p1 =	slt.u32 s9, $0xF7A;
	s5 =	simm.s32 @!p2 $0x0  }
0x1d: {  	s5 =	simm.s32 @p1 $0x1;
	p0 =	seq.s32 s7, s2  }
0x1e: {  	s7 =	smul.u32 @!p0 $0xF7A, s2;
	p2 =	seq.s32 @!p0 s5, $0x0  }
0x1f: {  	s9 =	smul.u32 $0xF7A, s1;
	s8 =	simm.s32 @!p0 $0x1BF5;
	p2 =	por !p2, p0  }
0x20: {  	[sflag:s8] =	ssyncset.s32 @!p0 $0xFFFFF086;
	s6 =	sadd.s32 @!p0 s3, s7;
	s7 =	simm.s32 @!p0 $0x108  }
0x21: {  	s3 =	sadd.s32 s3, s9;
	s6 =	sadd.s32 @!p0 $0x88, s6;
	s7 =	simm.s32 @p2 $0x1082  }
0x22: {  	[simem:s7], [sflag:s8] =	dma.local @!p0 [hbm:s6], $0xF7A  }
0x23: {  	s9 =	sor.u32 $0xD0000000, s2;
	s6 =	simm.s32 $0x108;
	_ =	swait.ge @!p0 [sflag:s8], $0x0  }
0x24: {  	s3 =	sadd.s32 $0x88, s3;
	s6 =	simm.s32 @!p1 $0x1082;
	[sflag:s4] =	ssyncset.s32 $0xFFFFF086  }
0x25: {  	[simem:s6], [sflag:s4] =	dma.local [hbm:s3], $0xF7A  }
0x26: {  	[smem:$0x3F9B] =	sst s1;
	(tag) =	ssettag s2;
	_ =	strace s9  }
0x27: {  	s1 =	sld [smem:$0x3FAB]  }
0x28: {  	s2 =	sld [smem:$0x3FAC]  }
0x29: {  	s4 =	sld [smem:$0x3FAE]  }
0x2a: {  	p0 =	seq.s32 s5, $0x0;
	s5 =	sld [smem:$0x3FAF]  }
0x2b: {  	s6 =	sld [smem:$0x3FB0]  }
0x2c: {  	s7 =	sld [smem:$0x3FB1]  }
0x2d: {  	s3 =	simm.s32 $0x108;
	s8 =	sld [smem:$0x3FB2]  }
0x2e: {  	s3 =	simm.s32 @!p0 $0x1082;
	s9 =	sld [smem:$0x3FB3]  }
0x2f: {  	lr =	sadd.s32 s0, s3;
	s0 =	sld [smem:$0x3FAA]  }
0x30: {  	s3 =	sld [smem:$0x3FAD]  }
0x31: {  	[smem:$0x3FB6] =	sst s10  }
0x32: {  	s10 =	sld [smem:$0x3FB4];
	_ =	sdelay $0x3  }
0x33: {  	p0 =	seq.s32 s10, $0x1;
	s10 =	sld [smem:$0x3FB6];
	_ =	sdelay $0x3  }
0x34: {  	[smem:$0x3FB6] =	sst s10  }
0x35: {  	s10 =	sld [smem:$0x3FB5];
	_ =	sdelay $0x3  }
0x36: {  	p1 =	seq.s32 s10, $0x1;
	s10 =	sld [smem:$0x3FB6];
	_ =	sdelay $0x3  }
0x37: {  	[smem:$0x3FB6] =	sst s10  }
0x38: {  	s10 =	sld [smem:$0x3FB7]  }
0x39: {  	_ = 	snop;
	(pc) =	sbr.ind lr, $3  }
0x3a: {  	_ = 	snop  }
0x3b: {  	_ = 	snop  }
0x3c: {  	p2 =	seq.s32 s10, $0x1;
	s10 =	sld [smem:$0x3FB6]  }
0x3d: {  	_ =	shalt  }
0x3e: {  	_ =	shalt  }
0x3f: {  	_ =	shalt  }
0x40: {  	_ =	shalt  }
0x41: {  	_ =	shalt  }
0x42: {  	_ =	shalt  }
0x43: {  	_ =	shalt  }
0x44: {  	_ =	shalt  }
0x45: {  	_ =	shalt  }
0x46: {  	_ =	shalt  }
0x47: {  	_ =	shalt  }
0x48: {  	_ =	shalt  }
0x49: {  	_ =	shalt  }
0x4a: {  	_ =	shalt  }
0x4b: {  	_ =	shalt  }
0x4c: {  	_ =	shalt  }
0x4d: {  	_ =	shalt  }
0x4e: {  	_ =	shalt  }
0x4f: {  	_ =	shalt  }
0x50: {  	_ =	shalt  }
0x51: {  	_ =	shalt  }
0x52: {  	_ =	shalt  }
0x53: {  	_ =	shalt  }
0x54: {  	_ =	shalt  }
0x55: {  	_ =	shalt  }
0x56: {  	_ =	shalt  }
0x57: {  	_ =	shalt  }
0x58: {  	_ =	shalt  }
0x59: {  	_ =	shalt  }
0x5a: {  	_ =	shalt  }
0x5b: {  	_ =	shalt  }
0x5c: {  	_ =	shalt  }
0x5d: {  	_ =	shalt  }
0x5e: {  	_ =	shalt  }
0x5f: {  	_ =	shalt  }
0x60: {  	_ =	shalt  }
0x61: {  	_ =	shalt  }
0x62: {  	_ =	shalt  }
0x63: {  	_ =	shalt  }
0x64: {  	_ =	shalt  }
0x65: {  	_ =	shalt  }
0x66: {  	_ =	shalt  }
0x67: {  	_ =	shalt  }
0x68: {  	_ =	shalt  }
0x69: {  	_ =	shalt  }
0x6a: {  	_ =	shalt  }
0x6b: {  	_ =	shalt  }
0x6c: {  	_ =	shalt  }
0x6d: {  	_ =	shalt  }
0x6e: {  	_ =	shalt  }
0x6f: {  	_ =	shalt  }
0x70: {  	_ =	shalt  }
0x71: {  	_ =	shalt  }
0x72: {  	_ =	shalt  }
0x73: {  	_ =	shalt  }
0x74: {  	_ =	shalt  }
0x75: {  	_ =	shalt  }
0x76: {  	_ =	shalt  }
0x77: {  	_ =	shalt  }
0x78: {  	_ =	shalt  }
0x79: {  	_ =	shalt  }
0x7a: {  	_ =	shalt  }
0x7b: {  	_ =	shalt  }
0x7c: {  	_ =	shalt  }
0x7d: {  	_ =	shalt  }
0x7e: {  	_ =	shalt  }
0x7f: {  	_ =	shalt  }
0x80: {  	_ =	shalt  }
0x81: {  	_ =	shalt  }
0x82: {  	_ =	shalt  }
0x83: {  	_ =	shalt  }
0x84: {  	_ =	shalt  }
0x85: {  	_ =	shalt  }
0x86: {  	_ =	shalt  }
0x87: {  	_ =	shalt  }
.Lfunc_end0:
.L_simem_size_0:
called_computation_lowered:
.L_overlay_start_0:
0x88: {  	s2 =	sld [smem:$0x3FD9]  }
0x89: {  	s3 =	sld [smem:$0x3FFE];
	_ =	sdelay $0x1  }
0x8a: {  	s1 =	srdreg.scid  }
0x8b: {  	s0 =	sand.u32 $0x1, s1  }
0x8c: {  	s17 =	sshll.u32 s0, $0xA;
	s2 =	sadd.s32 s3, s2  }
0x8d: {  	s2 =	sadd.s32 s2, s17  }
0x8e: {  	[smem:$0x3FC2] =	sst s2  }
0x8f: {  	_ = 	snop  }
0x90: {  	s2 =	sld [smem:$0x3FD0];
	(tm) =	ssettm $0x1  }
0x91: {  	s18 =	sld [smem:$0x3FFB];
	_ =	sdelay $0x3  }
0x92: {  	_ =	strace s18  }
0x93: {  	s3 =	sld [smem:$0x3FFC];
	_ =	sdelay $0x3  }
0x94: {  	_ =	strace s3  }
0x95: {  	s3 =	sld [smem:$0x3FFD];
	_ =	sdelay $0x3  }
0x96: {  	_ =	strace s3  }
0x97: {  	_ =	strace $0x8FFFFFFF  }
0x98: {  	s19 =	sld [smem:$0x3FDB];
	_ =	sdelay $0x1  }
0x99: {  	s4 =	simm.s32 $_scs_section_size  }
0x9a: {  	s5 =	simm.s32 $_size__tile_overlayer_lowered;
	s6 =	simm.s32 $_tile_overlayer_lowered  }
0x9b: {  	s22 =	simm.s32 $0x1BFF;
	s21 =	sshll.u32 s6, $0x1;
	s3 =	sadd.s32 s4, s19  }
0x9c: {  	s7 =	simm.s32 $0x0;
	s20 =	sshll.u32 s5, $0x1;
	s5 =	sadd.s32 s21, s3  }
0x9d: {  	[timem:s7], [sflag:s22] =	dma.local [hbm:s5], s20  }
0x9e: {  	_ =	swait.ge [sflag:s22], s20  }
0x9f: {  	s4 =	ssub.s32 $0x0, s20;
	[sflag:s22] =	ssyncset.done $0x0  }
0xa0: {  	[sflag:s22] =	ssyncadd.s32 s4;
	_ =	sdelay $0x1  }
0xa1: {  	s23 =	simm.s32 $0x1B8B  }
0xa2: {  	_ =	swait.ge [sflag:s23], $0x1  }
0xa3: {  	[sflag:s23] =	ssyncset.done $0x0  }
0xa4: {  	s25 =	simm.s32 $0x1B8E;
	s24 =	sld [smem:$0x3FFE];
	[sflag:s23] =	ssyncadd.s32 $0xFFFFFFFF  }
0xa5: {  	s26 =	simm.s32 $execute0_lowered;
	[smem:$0x3FD2] =	sst s25  }
0xa6: {  	s5 =	sshll.u32 s26, $0x1;
	_ =	strace $0x80000046;
	[dreg:$0x1] =	wrdreg $0xFFFFFFFF  }
0xa7: {  	s28 =	simm.s32 $_size_execute0_lowered;
	s3 =	sadd.s32 s3, s5;
	[dreg:$0x0] =	wrdreg $0x0  }
0xa8: {  	s5 =	sshll.u32 s28, $0x1;
	[dreg:$0x2] =	wrdreg s3  }
0xa9: {  	[dreg:$0x3] =	wrdreg s5  }
0xaa: {  	[dreg:$0x4] =	wrdreg $0xC0  }
0xab: {  	_ =	task [dreg:s7], $0x5FFFF  }
0xac: {  	[dreg:$0x1] =	wrdreg $0xFFFFFFFF  }
0xad: {  	[dreg:$0x0] =	wrdreg $0x60  }
0xae: {  	[dreg:$0x2] =	wrdreg s24  }
0xaf: {  	[dreg:$0x3] =	wrdreg s2  }
0xb0: {  	[dreg:$0x4] =	wrdreg $0x2FD00  }
0xb1: {  	[dreg:$0x5] =	wrdreg $0x9  }
0xb2: {  	_ =	task.clear_ibuf [dreg:s7], $0x6FFFF;
	_ =	strace $0x90000046  }
0xb3: {  	s29 =	simm.s32 $0x9;
	_ =	strace $0x80000048  }
0xb4: {  	_ =	swait.ge [sflag:s29], $0x1  }
0xb5: {  	[sflag:s29] =	ssyncadd.s32 $0xFFFFFFFF  }
0xb6: {  	_ =	strace $0x90000048  }
0xb7: {  	_ =	sfence  }
0xb8: {  	s30 =	sld [smem:$0x0];
	_ =	sdelay $0x2  }
0xb9: {  	s31 =	sshll.u32 s1, $0xD;
	s1 =	sshrl.u32 s1, $0x2  }
0xba: {  	s3 =	sand.u32 $0x4000, s31;
	s1 =	sadd.s32 s1, s30  }
0xbb: {  	s0 =	sor.u32 s3, s0;
	s1 =	sshll.u32 s1, $0x11  }
0xbc: {  	s0 =	sor.u32 s1, s0  }
0xbd: {  	s0 =	sadd.s32 $0x8F2B, s0  }
0xbe: {  	[sflag:s0] =	ssyncadd.remote.s32 $0x1  }
0xbf: {  	_ =	sfence.sel $0xFFFF  }
0xc0: {  	[dreg:$0x0] =	wrdreg $0xFFFFFFFF;
	(pc) =	sbr.abs _section_cstart, $3  }
0xc1: {  	[dreg:$0x1] =	wrdreg $0xFFFFFFFF  }
0xc2: {  	_ =	task.clear_ibuf [dreg:s7], $0x2FFFF;
	_ =	strace $0x9FFFFFFF  }
0xc3: {  	(tm) =	ssettm $0x7FFFFFFF  }
tec
execute0_lowered:
.L_overlay_start_1:
0x0: {  	(tag) =	ssettag $0x1  }
0x1: {  	s5 =	rddreg [dreg:$0x0]  }
0x2: {  	s1 =	srdreg.scid;
	s6 =	rddreg [dreg:$0x1]  }
0x3: {  	s0 =	stileid.u32;
	s2 =	rddreg [dreg:$0x2]  }
0x4: {  	s3 =	simm.s32 $0x0;
	s13 =	simm.s32 $0x7D;
	s14 =	simm.s32 $0x80  }
0x5: {  	s15 =	simm.s32 $0x1;
	s16 =	simm.s32 $0x2;
	s17 =	simm.s32 $0x10  }
0x6: {  	s7 =	sand.u32 $0x1, s1;
	s8 =	smul.u32 $0x13C00, s0;
	s1 =	rddreg [dreg:$0x3]  }
0x7: {  	s18 =	simm.s32 $0x0;
	[smem:$0x7FF] =	sst s3;
	s10 =	smul.u32 $0x2780, s0  }
0x8: {  	s31 =	sshll.u32 s0, $0x6;
	s4 =	sshll.u32 s7, $0x4;
	_ =	strace $0x80000047  }
0x9: {  	s7 =	ssub.s32 $0x2, s7;
	s9 =	sor.u32 s0, s4;
	s8 =	sor.u32 s4, s8  }
0xa: {  	s4 =	sadd.s32 $0x17000, s5;
	s11 =	sshrl.u32 s7, $0x1;
	s30 =	sshrl.u32 s10, $0x3  }
0xb: {  	s12 =	sadd.s32 s10, s2;
	s10 =	simm.s32 $0x2800;
	s9 =	smul.u32 $0x2800, s9  }
0xc: {  	s8 =	sshrl.u32 s8, $0x3;
	s29 =	ssub.s32 s7, s11;
	s6 =	sadd.s32 s6, s30  }
0xd: {  	s11 =	sor.u32 $0x1C03, s31;
	s8 =	sadd.s32 s8, s5;
	s9 =	sshrl.u32 s9, $0x3  }
0xe: {  	s12 =	sshrl.u32 s12, $0x3;
	s7 =	sadd.s32 $0x17200, s8;
	s5 =	sadd.s32 s5, s9  }
0xf: {  	s8 =	smax.u32 s29, $0x1;
	s9 =	simm.s32 $0x3;
	s5 =	sadd.s32 $0xD000, s5  }
.LBB2_1:
0x10: {  	[tilespmem:s3], [sflag:$0x3] =	stream.linear.gather [hbm4b:s5+s3], $0x2800, $0x38;
	[tilespmem:$0x5750] =	vst v63  }
0x11: {  	_ =	swait.ge [sflag:s9], $0x2800  }
0x12: {  	[sflag:s9] =	ssyncset.done $0x0  }
0x13: {  	[sflag:s9] =	ssyncadd.s32 $0xFFFFD800  }
0x14: {  	[tilespmem:s10], [sflag:$0x3] =	stream.linear.gather [hbm4b:s4+s3], $0x7D0, $0x38;
	[tilespmem:$0x5750] =	vst v63  }
0x15: {  	_ =	swait.ge [sflag:s9], $0x7D0  }
0x16: {  	[sflag:s9] =	ssyncset.done $0x0  }
0x17: {  	[sflag:s9] =	ssyncadd.s32 $0xFFFFF830  }
0x18: {  	[spmem:s12], [sflag:s11] =	dma.local [hbm:s6], $0x4F0  }
0x19: {  	_ =	swait.ge [sflag:s9], $0x4F0  }
0x1a: {  	[sflag:s9] =	ssyncset.done $0x0  }
0x1b: {  	[sflag:s9] =	ssyncadd.s32 $0xFFFFFB10  }
0x1c: {  	[bflag:$0x0] =	sbarrier.arrive $0xFFFF  }
0x1d: {  	[spmem:s2] =	stream.indirect.scatter.add.f32 [tilespmem:s10], [sflag:$0x1], $0x10, s3, s13, $0xb8;
	[tilespmem:$0x5750] =	vst v63  }
0x1e: {  	_ = 	snop  }
0x1f: {  	[spmem:s2] =	stream.indirect.scatter.add.f32 [tilespmem:s10], [sflag:$0x2], $0x10, s14, s13, $0xb8;
	[tilespmem:$0x5750] =	vst v63  }
0x20: {  	_ =	swait.ge [sflag:s15], $0x7D0  }
0x21: {  	[sflag:s15] =	ssyncset.done $0x0  }
0x22: {  	s19 =	simm.s32 $0x100;
	[sflag:s15] =	ssyncadd.s32 $0xFFFFF830  }
0x23: {  	[spmem:s2] =	stream.indirect.scatter.add.f32 [tilespmem:s10], [sflag:$0x1], $0x10, s19, s13, $0xb8;
	[tilespmem:$0x5750] =	vst v63  }
0x24: {  	_ =	swait.ge [sflag:s16], $0x7D0  }
0x25: {  	[sflag:s16] =	ssyncset.done $0x0  }
0x26: {  	s20 =	simm.s32 $0x180;
	s19 =	simm.s32 $0xFFFF6800;
	[sflag:s16] =	ssyncadd.s32 $0xFFFFF830  }
.LBB2_2:
0x27: {  	[spmem:s2] =	stream.indirect.scatter.add.f32 [tilespmem:s10], [sflag:$0x2], $0x10, s20, s13, $0xb8;
	[tilespmem:$0x5750] =	vst v63  }
0x28: {  	s20 =	smov.u32 s19  }
0x29: {  	p0 =	sne.s32 s19, $0xFFFFFC00;
	s19 =	sadd.s32 $0x400, s19;
	_ =	swait.ge [sflag:s15], $0x7D0  }
0x2a: {  	s20 =	sshra.s32 s20, $0x2;
	[sflag:s15] =	ssyncset.done $0x0  }
.Ltmp0:
0x2b: {  	s21 =	sadd.s32 $0x2800, s20;
	[sflag:s15] =	ssyncadd.s32 $0xFFFFF830;
	(pc) =	sbr.rel @p0 .LBB2_2-.Ltmp0, $4  }
0x2c: {  	[spmem:s2] =	stream.indirect.scatter.add.f32 [tilespmem:s10], [sflag:$0x1], $0x10, s21, s13, $0xb8;
	[tilespmem:$0x5750] =	vst v63  }
0x2d: {  	_ =	swait.ge [sflag:s16], $0x7D0  }
0x2e: {  	[sflag:s16] =	ssyncset.done $0x0  }
0x2f: {  	s20 =	sadd.s32 $0x2880, s20;
	[sflag:s16] =	ssyncadd.s32 $0xFFFFF830  }
0x30: {  	[spmem:s2] =	stream.indirect.scatter.add.f32 [tilespmem:s10], [sflag:$0x2], $0x10, s20, s13, $0xb8;
	[tilespmem:$0x5750] =	vst v63  }
0x31: {  	_ =	swait.ge [sflag:s15], $0x7D0  }
0x32: {  	[sflag:s15] =	ssyncset.done $0x0  }
0x33: {  	[sflag:s15] =	ssyncadd.s32 $0xFFFFF830  }
0x34: {  	_ =	swait.ge [sflag:s16], $0x7D0  }
0x35: {  	s18 =	sadd.s32 $0x1, s18;
	[sflag:s16] =	ssyncset.done $0x0  }
0x36: {  	p0 =	sne.s32 s18, s8;
	[sflag:s16] =	ssyncadd.s32 $0xFFFFF830  }
.Ltmp1:
0x37: {  	[bflag:$0x0] =	sbarrier.arrive $0xFFFF;
	(pc) =	sbr.rel @p0 .LBB2_1-.Ltmp1, $4  }
0x38: {  	[hbm:s7@s17], [sflag:s11] =	dma.strided [spmem:s12@s16], $0x4F0, s15, $0x2   }
0x39: {  	_ =	swait.ge [sflag:s9], $0x4F0  }
0x3a: {  	[sflag:s9] =	ssyncset.done $0x0  }
0x3b: {  	[sflag:s9] =	ssyncadd.s32 $0xFFFFFB10  }
0x3c: {  	_ =	sfence.sel $0x180000  }
0x3d: {  	[bflag:$0x0] =	sbarrier.arrive $0xFFFF  }
0x3e: {  	p0 =	sne.s32 s0, $0x0;
	_ =	strace $0x90000047  }
0x3f: {  	s0 =	sadd.s32 @!p0 $0x100000, s1;
	[bflag:$0x2] =	sbarrier.arrive $0xFFFF  }
0x40: {  	[sflag:s0] =	ssyncadd.tile.s32 @!p0 $0x1;
	_ =	shalt  }
.Lfunc_end2:
_tile_overlayer_lowered:
.L_overlay_start_2:
0x41: {  	(tag) =	ssettag $0x2  }
0x42: {  	s0 =	rddreg [dreg:$0x0];
	s2 =	stileid.u32  }
0x43: {  	s1 =	rddreg [dreg:$0x1];
	p0 =	sne.s32 s2, $0x0  }
0x44: {  	s3 =	rddreg [dreg:$0x2];
	[bflag:$0x3] =	sbarrier.arrive $0xFFFF;
	s2 =	simm.s32 @!p0 $0x1C03  }
0x45: {  	[timem:s3], [sflag:s2] =	dma.local @!p0 [hbm:s0], s1  }
0x46: {  	s0 =	simm.s32 @!p0 $0x3  }
0x47: {  	_ =	swait.ge @!p0 [sflag:s0], s1  }
0x48: {  	s1 =	ssub.s32 @!p0 $0x0, s1;
	[sflag:s0] =	ssyncset.done @!p0 $0x0  }
0x49: {  	[sflag:s0] =	ssyncadd.s32 @!p0 s1  }
0x4a: {  	[bflag:$0x3] =	sbarrier.arrive $0xFFFF  }
0x4b: {  	_ =	shalt  }

</sc_bundles>
